<compile_context>
chip_gen: v7x
topology: tpu7x:2x2x1
jax: 0.10.2.dev20260603
libtpu: 0.0.44.dev20260713+nightly
codegen_flags: <defaults>
</compile_context>

<pallas_src>
import dataclasses
import functools

import jax
import jax.numpy as jnp
from jax import lax
from jax.experimental import pallas as pl
from jax.experimental.pallas import tpu as pltpu
from jax.experimental.pallas import tpu_sc as plsc

R, C = 128, 32768
K = 64
L = 16
NWORKERS = 32
ROWS_PER = R // NWORKERS

H1_BITS, H2_BITS, H3_BITS = 12, 12, 7
H1, H2, H3 = 1 << H1_BITS, 1 << H2_BITS, 1 << H3_BITS


def _zero_hist(h, nbins):
    zeros = jnp.zeros((L,), jnp.int32)

    @plsc.parallel_loop(0, nbins, L, unroll=8)
    def _(i):
        h[pl.ds(i, L)] = zeros


def _scan_hist(h, nbins, rank):
    nv = nbins // L

    def cond(st):
        _, cum = st
        return cum < rank

    def body(st):
        v, cum = st
        s = jnp.sum(h[pl.ds(v * L, L)])
        return (v - 1, cum + s)

    v_end, cum = lax.while_loop(cond, body,
                                (jnp.int32(nv - 1), jnp.int32(0)))
    vstar = v_end + 1
    hv = h[pl.ds(vstar * L, L)]
    s = jnp.sum(hv)
    prev = cum - s
    rev = lax.rev(hv, (0,))
    csum = plsc.cumsum(rev)
    need = rank - prev
    lane_v = plsc.all_reduce_ffs(csum >= need)
    li = lax.iota(jnp.int32, L)
    lane = jnp.sum(jnp.where(li == lane_v, li, 0))
    c_at = jnp.sum(jnp.where(li == lane, csum, 0))
    h_at = jnp.sum(jnp.where(li == lane, rev, 0))
    bin_index = vstar * L + (L - 1 - lane)
    above = prev + c_at - h_at
    return bin_index, rank - above


def kernel(x):
    mesh = plsc.VectorSubcoreMesh(core_axis_name="c", subcore_axis_name="s")
    cp = pltpu.CompilerParams()
    if "needs_layout_passes" in pltpu.CompilerParams.__dataclass_fields__:
        cp = dataclasses.replace(cp, needs_layout_passes=False)

    @functools.partial(
        pl.kernel,
        out_type=jax.ShapeDtypeStruct((R, C), jnp.float32),
        mesh=mesh,
        compiler_params=cp,
        scratch_types=[
            pltpu.VMEM((C,), jnp.float32),
            pltpu.VMEM((C,), jnp.float32),
            pltpu.VMEM((C,), jnp.int32),
            pltpu.VMEM((H1,), jnp.int32),
            pltpu.VMEM((H2,), jnp.int32),
            pltpu.VMEM((H3,), jnp.int32),
        ],
    )
    def k(x_hbm, o_hbm, row_v, zbuf, cand, h1, h2, h3):
        wid = lax.axis_index("s") * 2 + lax.axis_index("c")

        ones = jnp.ones((L,), jnp.int32)
        zeros_i = jnp.zeros((L,), jnp.int32)
        zeros_f = jnp.zeros((L,), jnp.float32)
        li = lax.iota(jnp.int32, L)

        @plsc.parallel_loop(0, C, L, unroll=8)
        def _(i):
            zbuf[pl.ds(i, L)] = zeros_f

        _zero_hist(h1, H1)
        _zero_hist(h2, H2)
        _zero_hist(h3, H3)

        def row_body(j, b_spec):
            row = wid * ROWS_PER + j
            pltpu.sync_copy(x_hbm.at[row], row_v)

            def body_a(v, base):
                i = v * L
                r = jnp.maximum(row_v[pl.ds(i, L)], 0.0)
                kk = plsc.bitcast(r, jnp.int32)
                hi = jnp.right_shift(kk, H2_BITS + H3_BITS)
                plsc.addupdate_scatter(h1, [hi], ones)
                m = hi >= b_spec
                mi = m.astype(jnp.int32)
                off = plsc.cumsum(mi) - mi
                plsc.store_scatter(cand, [base + off], i + li, mask=m)
                return base + jnp.sum(mi)

            n_spec = lax.fori_loop(0, C // L, body_a, jnp.int32(0), unroll=8)

            b1, rank2 = _scan_hist(h1, H1, jnp.int32(K))

            _zero_hist(h1, H1)

            def body_fb(v, base):
                i = v * L
                r = jnp.maximum(row_v[pl.ds(i, L)], 0.0)
                kk = plsc.bitcast(r, jnp.int32)
                m = jnp.right_shift(kk, H2_BITS + H3_BITS) >= b1
                mi = m.astype(jnp.int32)
                off = plsc.cumsum(mi) - mi
                plsc.store_scatter(cand, [base + off], i + li, mask=m)
                return base + jnp.sum(mi)

            ok = b_spec <= b1
            nfb = jnp.where(ok, jnp.int32(0), jnp.int32(C // L))
            n_fb = lax.fori_loop(0, nfb, body_fb, jnp.int32(0))
            n_cand = jnp.where(ok, n_spec, n_fb)

            ntrips = lax.shift_right_logical(n_cand + (L - 1), 4)

            def body_h2(t, _):
                i = t * L
                valid = (i + li) < n_cand
                idx = cand[pl.ds(i, L)]
                r = plsc.load_gather(row_v, [idx], mask=valid)
                kk = plsc.bitcast(jnp.maximum(r, 0.0), jnp.int32)
                m = jnp.logical_and(
                    valid, jnp.right_shift(kk, H2_BITS + H3_BITS) == b1)
                plsc.addupdate_scatter(
                    h2,
                    [jnp.bitwise_and(jnp.right_shift(kk, H3_BITS), H2 - 1)],
                    ones, mask=m)
                return _

            lax.fori_loop(0, ntrips, body_h2, jnp.int32(0))

            b2, rank3 = _scan_hist(h2, H2, rank2)
            prefix = jnp.bitwise_or(lax.shift_left(b1, H2_BITS), b2)

            def body_h3(t, _):
                i = t * L
                valid = (i + li) < n_cand
                idx = cand[pl.ds(i, L)]
                r = plsc.load_gather(row_v, [idx], mask=valid)
                kk = plsc.bitcast(jnp.maximum(r, 0.0), jnp.int32)
                m = jnp.logical_and(
                    valid, jnp.right_shift(kk, H3_BITS) == prefix)
                plsc.addupdate_scatter(
                    h3, [jnp.bitwise_and(kk, H3 - 1)], ones, mask=m)
                return _

            lax.fori_loop(0, ntrips, body_h3, jnp.int32(0))

            b3, rank_eq = _scan_hist(h3, H3, rank3)
            tkey = jnp.bitwise_or(lax.shift_left(prefix, H3_BITS), b3)

            def body_o(t, eqcount):
                i = t * L
                valid = (i + li) < n_cand
                idx = cand[pl.ds(i, L)]
                r = plsc.load_gather(row_v, [idx], mask=valid)
                r = jnp.maximum(r, 0.0)
                kk = plsc.bitcast(r, jnp.int32)
                meq = jnp.logical_and(valid, kk == tkey)
                meqi = meq.astype(jnp.int32)
                pc = plsc.cumsum(meqi)
                occ = eqcount + pc - meqi
                keep = jnp.logical_and(
                    valid,
                    jnp.logical_or(kk > tkey,
                                   jnp.logical_and(meq, occ < rank_eq)))
                plsc.store_scatter(zbuf, [idx], r, mask=keep)
                return eqcount + jnp.sum(meqi)

            lax.fori_loop(0, ntrips, body_o, jnp.int32(0))

            pltpu.sync_copy(zbuf, o_hbm.at[row])

            def body_z(t, _):
                i = t * L
                valid = (i + li) < n_cand
                idx = cand[pl.ds(i, L)]
                r = plsc.load_gather(row_v, [idx], mask=valid)
                kk = plsc.bitcast(jnp.maximum(r, 0.0), jnp.int32)
                plsc.store_scatter(zbuf, [idx], zeros_f, mask=valid)
                m2 = jnp.logical_and(
                    valid, jnp.right_shift(kk, H2_BITS + H3_BITS) == b1)
                plsc.store_scatter(
                    h2,
                    [jnp.bitwise_and(jnp.right_shift(kk, H3_BITS), H2 - 1)],
                    zeros_i, mask=m2)
                m3 = jnp.logical_and(
                    valid, jnp.right_shift(kk, H3_BITS) == prefix)
                plsc.store_scatter(
                    h3, [jnp.bitwise_and(kk, H3 - 1)], zeros_i, mask=m3)
                return _

            lax.fori_loop(0, ntrips, body_z, jnp.int32(0))

            return jnp.maximum(b1 - 1, 0)

        lax.fori_loop(0, ROWS_PER, row_body, jnp.int32(H1))

    return k(x)

# --- scband reference (transcript-rebuilt; emitter-appended) ---
"""Pipeline reference for scband-top-k-34626026340808 (READ-ONLY COPY).

The authoritative reference and input builder live on the scoring server;
editing this copy changes nothing except your own understanding.
"""

import jax, jax.numpy as jnp
import numpy as np

K = 64

def setup_inputs(seed: int = 0) -> dict:
    key = jax.random.key(seed)
    x = jax.random.normal(key, (128, 32768), dtype=jnp.float32)
    return {"x": x}

def reference(x):
    vals, idx = jax.lax.top_k(x, K)
    vals = jax.nn.relu(vals)
    result = jnp.zeros_like(x)
    bidx = jnp.arange(x.shape[0])[:, None]
    result = result.at[bidx, idx].set(vals)
    return result

if __name__ == "__main__":
    import jax
    _d = setup_inputs()
    print(jax.jit(kernel)(*tuple(_d.values())))

</pallas_src>

<mosaic_0001>
#map = affine_map<(d0, d1) -> (0, 0)>
module attributes {stable_mosaic.version = 14 : i64} {
  func.func @k(%arg0: i32, %arg1: i32, %arg2: memref<128x32768xf32, #tpu.memory_space<hbm>>, %arg3: memref<128x32768xf32, #tpu.memory_space<hbm>>, %arg4: memref<32768xf32, #tpu.memory_space<vmem>>, %arg5: memref<32768xf32, #tpu.memory_space<vmem>>, %arg6: memref<32768xi32, #tpu.memory_space<vmem>>, %arg7: memref<4096xi32, #tpu.memory_space<vmem>>, %arg8: memref<4096xi32, #tpu.memory_space<vmem>>, %arg9: memref<128xi32, #tpu.memory_space<vmem>>) attributes {dimension_semantics = [#tpu.dimension_semantics<core_parallel>, #tpu.dimension_semantics<subcore_parallel>], iteration_bounds = array<i64: 2, 16>, scalar_prefetch = 0 : i64, scratch_operands = 6 : i64, tpu.core_type = #tpu.core_type<sc_vector_subcore>, window_params = [{transform_indices = #map}, {transform_indices = #map}]} {
    %mul3A = arith.constant 2 : i32
    %mul3A_0 = arith.muli %arg1, %mul3A : i32
    %add3A = arith.addi %mul3A_0, %arg0 : i32
    %broadcast_in_dim3A = arith.constant 1 : i32
    %broadcast_in_dim3A_1 = vector.broadcast %broadcast_in_dim3A : i32 to vector<16xi32>
    %broadcast_in_dim3A_2 = arith.constant 0 : i32
    %broadcast_in_dim3A_3 = vector.broadcast %broadcast_in_dim3A_2 : i32 to vector<16xi32>
    %broadcast_in_dim3A_4 = arith.constant 0.000000e+00 : f32
    %broadcast_in_dim3A_5 = vector.broadcast %broadcast_in_dim3A_4 : f32 to vector<16xf32>
    %iota3A = tpu.iota {dimensions = array<i32: 0>} : vector<16xi32>
    %parallel_loop3A = arith.constant 0 : i32
    %parallel_loop3A_6 = arith.constant 32768 : i32
    %parallel_loop3A_7 = arith.constant 16 : i32
    scf.for %parallel_loop3A_29 = %parallel_loop3A to %parallel_loop3A_6 step %parallel_loop3A_7  : i32 {
      %parallel_loop3A_30 = arith.index_cast %parallel_loop3A_29 : i32 to index
      %parallel_loop3A_31 = tpu.vector_load %arg5[%parallel_loop3A_30] {strides = array<i32>} : memref<32768xf32, #tpu.memory_space<vmem>>, vector<16xf32>,
      tpu.vector_store %arg5[%parallel_loop3A_30], %broadcast_in_dim3A_5 {strides = array<i32>} : memref<32768xf32, #tpu.memory_space<vmem>>, vector<16xf32>,
    } {sc.loop_unroll_factor = 8 : i64, sc.parallel_access}
    %broadcast_in_dim3A_8 = arith.constant 0 : i32
    %broadcast_in_dim3A_9 = vector.broadcast %broadcast_in_dim3A_8 : i32 to vector<16xi32>
    %parallel_loop3A_10 = arith.constant 0 : i32
    %parallel_loop3A_11 = arith.constant 4096 : i32
    %parallel_loop3A_12 = arith.constant 16 : i32
    scf.for %parallel_loop3A_29 = %parallel_loop3A_10 to %parallel_loop3A_11 step %parallel_loop3A_12  : i32 {
      %parallel_loop3A_30 = arith.index_cast %parallel_loop3A_29 : i32 to index
      %parallel_loop3A_31 = tpu.vector_load %arg7[%parallel_loop3A_30] {strides = array<i32>} : memref<4096xi32, #tpu.memory_space<vmem>>, vector<16xi32>,
      tpu.vector_store %arg7[%parallel_loop3A_30], %broadcast_in_dim3A_9 {strides = array<i32>} : memref<4096xi32, #tpu.memory_space<vmem>>, vector<16xi32>,
    } {sc.loop_unroll_factor = 8 : i64, sc.parallel_access}
    %broadcast_in_dim3A_13 = arith.constant 0 : i32
    %broadcast_in_dim3A_14 = vector.broadcast %broadcast_in_dim3A_13 : i32 to vector<16xi32>
    %parallel_loop3A_15 = arith.constant 0 : i32
    %parallel_loop3A_16 = arith.constant 4096 : i32
    %parallel_loop3A_17 = arith.constant 16 : i32
    scf.for %parallel_loop3A_29 = %parallel_loop3A_15 to %parallel_loop3A_16 step %parallel_loop3A_17  : i32 {
      %parallel_loop3A_30 = arith.index_cast %parallel_loop3A_29 : i32 to index
      %parallel_loop3A_31 = tpu.vector_load %arg8[%parallel_loop3A_30] {strides = array<i32>} : memref<4096xi32, #tpu.memory_space<vmem>>, vector<16xi32>,
      tpu.vector_store %arg8[%parallel_loop3A_30], %broadcast_in_dim3A_14 {strides = array<i32>} : memref<4096xi32, #tpu.memory_space<vmem>>, vector<16xi32>,
    } {sc.loop_unroll_factor = 8 : i64, sc.parallel_access}
    %broadcast_in_dim3A_18 = arith.constant 0 : i32
    %broadcast_in_dim3A_19 = vector.broadcast %broadcast_in_dim3A_18 : i32 to vector<16xi32>
    %parallel_loop3A_20 = arith.constant 0 : i32
    %parallel_loop3A_21 = arith.constant 128 : i32
    %parallel_loop3A_22 = arith.constant 16 : i32
    scf.for %parallel_loop3A_29 = %parallel_loop3A_20 to %parallel_loop3A_21 step %parallel_loop3A_22  : i32 {
      %parallel_loop3A_30 = arith.index_cast %parallel_loop3A_29 : i32 to index
      %parallel_loop3A_31 = tpu.vector_load %arg9[%parallel_loop3A_30] {strides = array<i32>} : memref<128xi32, #tpu.memory_space<vmem>>, vector<16xi32>,
      tpu.vector_store %arg9[%parallel_loop3A_30], %broadcast_in_dim3A_19 {strides = array<i32>} : memref<128xi32, #tpu.memory_space<vmem>>, vector<16xi32>,
    } {sc.loop_unroll_factor = 8 : i64, sc.parallel_access}
    %scan3A = arith.constant 4096 : i32
    %scan3A_23 = arith.constant 0 : i32
    %scan3A_24 = arith.constant 4 : i32
    %scan3A_25 = arith.addi %scan3A_23, %scan3A_24 : i32
    %scan3A_26 = arith.constant 1 : i32
    %scan3A_27 = scf.for %scan3A_29 = %scan3A_23 to %scan3A_25 step %scan3A_26 iter_args(%scan3A_30 = %scan3A) -> (i32)  : i32 {
      %mul3A_31 = arith.constant 4 : i32
      %mul3A_32 = arith.muli %add3A, %mul3A_31 : i32
      %add3A_33 = arith.addi %mul3A_32, %scan3A_29 : i32
      "tpu.region"() ({
        %run_scoped3A = tpu.sem_alloc : memref<!tpu.dma_semaphore, #tpu.memory_space<semaphore_mem>>
        %dma_start3A = arith.constant 0 : i32
        %dma_start3A_289 = tpu.memref_slice %arg2[%add3A_33, %dma_start3A] : memref<128x32768xf32, #tpu.memory_space<hbm>> -> memref<1x32768xf32, #tpu.memory_space<hbm>>
        %dma_start3A_290 = tpu.memref_squeeze %dma_start3A_289 : memref<1x32768xf32, #tpu.memory_space<hbm>> -> memref<32768xf32, #tpu.memory_space<hbm>>
        %dma_start3A_291 = arith.constant 0 : i32
        %dma_start3A_292 = tpu.memref_slice %arg2[%add3A_33, %dma_start3A_291] : memref<128x32768xf32, #tpu.memory_space<hbm>> -> memref<1x32768xf32, #tpu.memory_space<hbm>>
        %dma_start3A_293 = tpu.memref_squeeze %dma_start3A_292 : memref<1x32768xf32, #tpu.memory_space<hbm>> -> memref<32768xf32, #tpu.memory_space<hbm>>
        tpu.enqueue_dma source(%dma_start3A_293 : memref<32768xf32, #tpu.memory_space<hbm>>) target(%arg4 : memref<32768xf32, #tpu.memory_space<vmem>>) target_semaphore(%run_scoped3A : memref<!tpu.dma_semaphore, #tpu.memory_space<semaphore_mem>>)
        %dma_wait3A = arith.constant 0 : i32
        %dma_wait3A_294 = tpu.memref_slice %arg2[%add3A_33, %dma_wait3A] : memref<128x32768xf32, #tpu.memory_space<hbm>> -> memref<1x32768xf32, #tpu.memory_space<hbm>>
        %dma_wait3A_295 = tpu.memref_squeeze %dma_wait3A_294 : memref<1x32768xf32, #tpu.memory_space<hbm>> -> memref<32768xf32, #tpu.memory_space<hbm>>
        %dma_wait3A_296 = arith.constant 0 : i32
        %dma_wait3A_297 = tpu.memref_slice %arg2[%add3A_33, %dma_wait3A_296] : memref<128x32768xf32, #tpu.memory_space<hbm>> -> memref<1x32768xf32, #tpu.memory_space<hbm>>
        %dma_wait3A_298 = tpu.memref_squeeze %dma_wait3A_297 : memref<1x32768xf32, #tpu.memory_space<hbm>> -> memref<32768xf32, #tpu.memory_space<hbm>>
        tpu.wait_dma2 semaphore(%run_scoped3A : memref<!tpu.dma_semaphore, #tpu.memory_space<semaphore_mem>>) src(%dma_wait3A_298 : memref<32768xf32, #tpu.memory_space<hbm>>) dst(%arg4 : memref<32768xf32, #tpu.memory_space<vmem>>)
        tpu.yield
      }) : () -> ()
      %scan3A_34 = arith.constant 0 : i32
      %scan3A_35 = arith.constant 0 : i32
      %scan3A_36 = arith.constant 2048 : i32
      %scan3A_37 = arith.addi %scan3A_35, %scan3A_36 : i32
      %scan3A_38 = arith.constant 8 : i32
      %scan3A_39 = scf.for %scan3A_289 = %scan3A_35 to %scan3A_37 step %scan3A_38 iter_args(%scan3A_290 = %scan3A_34) -> (i32)  : i32 {
        %mul3A_291 = arith.constant 16 : i32
        %mul3A_292 = arith.muli %scan3A_289, %mul3A_291 : i32
        %get3A_293 = arith.index_cast %mul3A_292 : i32 to index
        %get3A_294 = tpu.vector_load %arg4[%get3A_293] {strides = array<i32>} : memref<32768xf32, #tpu.memory_space<vmem>>, vector<16xf32>,
        %max3A_295 = arith.constant 0.000000e+00 : f32
        %max3A_296 = vector.broadcast %max3A_295 : f32 to vector<16xf32>
        %max3A_297 = arith.maximumf %get3A_294, %max3A_296 : vector<16xf32>
        %bitcast3A = vector.bitcast %max3A_297 : vector<16xf32> to vector<16xi32>
        %shift_right_arithmetic3A = arith.constant 19 : i32
        %shift_right_arithmetic3A_298 = vector.broadcast %shift_right_arithmetic3A : i32 to vector<16xi32>
        %shift_right_arithmetic3A_299 = arith.shrsi %bitcast3A, %shift_right_arithmetic3A_298 : vector<16xi32>
        tpu.vector_store_idx %arg7[%shift_right_arithmetic3A_299], %broadcast_in_dim3A_1 {add = true} : memref<4096xi32, #tpu.memory_space<vmem>>[vector<16xi32>], vector<16xi32>,
        %ge3A_300 = vector.broadcast %scan3A_30 : i32 to vector<16xi32>
        %ge3A_301 = arith.cmpi sge, %shift_right_arithmetic3A_299, %ge3A_300 : vector<16xi32>
        %convert_element_type3A = arith.extui %ge3A_301 : vector<16xi1> to vector<16xi32>
        %broadcast_in_dim3A_302 = arith.constant true
        %broadcast_in_dim3A_303 = vector.broadcast %broadcast_in_dim3A_302 : i1 to vector<16xi1>
        %masked_cumsum3A_304 = tpu.scan <sum>, %convert_element_type3A masked %broadcast_in_dim3A_303 : vector<16xi32>, vector<16xi1> -> vector<16xi32>
        %sub3A_305 = arith.subi %masked_cumsum3A_304, %convert_element_type3A : vector<16xi32>
        %add3A_306 = vector.broadcast %scan3A_290 : i32 to vector<16xi32>
        %add3A_307 = arith.addi %add3A_306, %sub3A_305 : vector<16xi32>
        %add3A_308 = vector.broadcast %mul3A_292 : i32 to vector<16xi32>
        %add3A_309 = arith.addi %add3A_308, %iota3A : vector<16xi32>
        tpu.vector_store_idx %arg6[%add3A_307], %add3A_309 masked %ge3A_301 : memref<32768xi32, #tpu.memory_space<vmem>>[vector<16xi32>], vector<16xi32>, vector<16xi1>
        %reduce_sum3A_310 = arith.constant true
        %reduce_sum3A_311 = vector.broadcast %reduce_sum3A_310 : i1 to vector<16xi1>
        %reduce_sum3A_312 = tpu.scan <sum>, %convert_element_type3A masked %reduce_sum3A_311 : vector<16xi32>, vector<16xi1> -> vector<16xi32>
        %reduce_sum3A_313 = vector.extract %reduce_sum3A_312[15] : i32 from vector<16xi32>
        %add3A_314 = arith.addi %scan3A_290, %reduce_sum3A_313 : i32
        %scan3A_315 = arith.constant 1 : i32
        %scan3A_316 = arith.addi %scan3A_289, %scan3A_315 : i32
        %mul3A_317 = arith.constant 16 : i32
        %mul3A_318 = arith.muli %scan3A_316, %mul3A_317 : i32
        %get3A_319 = arith.index_cast %mul3A_318 : i32 to index
        %get3A_320 = tpu.vector_load %arg4[%get3A_319] {strides = array<i32>} : memref<32768xf32, #tpu.memory_space<vmem>>, vector<16xf32>,
        %max3A_321 = arith.constant 0.000000e+00 : f32
        %max3A_322 = vector.broadcast %max3A_321 : f32 to vector<16xf32>
        %max3A_323 = arith.maximumf %get3A_320, %max3A_322 : vector<16xf32>
        %bitcast3A_324 = vector.bitcast %max3A_323 : vector<16xf32> to vector<16xi32>
        %shift_right_arithmetic3A_325 = arith.constant 19 : i32
        %shift_right_arithmetic3A_326 = vector.broadcast %shift_right_arithmetic3A_325 : i32 to vector<16xi32>
        %shift_right_arithmetic3A_327 = arith.shrsi %bitcast3A_324, %shift_right_arithmetic3A_326 : vector<16xi32>
        tpu.vector_store_idx %arg7[%shift_right_arithmetic3A_327], %broadcast_in_dim3A_1 {add = true} : memref<4096xi32, #tpu.memory_space<vmem>>[vector<16xi32>], vector<16xi32>,
        %ge3A_328 = vector.broadcast %scan3A_30 : i32 to vector<16xi32>
        %ge3A_329 = arith.cmpi sge, %shift_right_arithmetic3A_327, %ge3A_328 : vector<16xi32>
        %convert_element_type3A_330 = arith.extui %ge3A_329 : vector<16xi1> to vector<16xi32>
        %broadcast_in_dim3A_331 = arith.constant true
        %broadcast_in_dim3A_332 = vector.broadcast %broadcast_in_dim3A_331 : i1 to vector<16xi1>
        %masked_cumsum3A_333 = tpu.scan <sum>, %convert_element_type3A_330 masked %broadcast_in_dim3A_332 : vector<16xi32>, vector<16xi1> -> vector<16xi32>
        %sub3A_334 = arith.subi %masked_cumsum3A_333, %convert_element_type3A_330 : vector<16xi32>
        %add3A_335 = vector.broadcast %add3A_314 : i32 to vector<16xi32>
        %add3A_336 = arith.addi %add3A_335, %sub3A_334 : vector<16xi32>
        %add3A_337 = vector.broadcast %mul3A_318 : i32 to vector<16xi32>
        %add3A_338 = arith.addi %add3A_337, %iota3A : vector<16xi32>
        tpu.vector_store_idx %arg6[%add3A_336], %add3A_338 masked %ge3A_329 : memref<32768xi32, #tpu.memory_space<vmem>>[vector<16xi32>], vector<16xi32>, vector<16xi1>
        %reduce_sum3A_339 = arith.constant true
        %reduce_sum3A_340 = vector.broadcast %reduce_sum3A_339 : i1 to vector<16xi1>
        %reduce_sum3A_341 = tpu.scan <sum>, %convert_element_type3A_330 masked %reduce_sum3A_340 : vector<16xi32>, vector<16xi1> -> vector<16xi32>
        %reduce_sum3A_342 = vector.extract %reduce_sum3A_341[15] : i32 from vector<16xi32>
        %add3A_343 = arith.addi %add3A_314, %reduce_sum3A_342 : i32
        %scan3A_344 = arith.constant 2 : i32
        %scan3A_345 = arith.addi %scan3A_289, %scan3A_344 : i32
        %mul3A_346 = arith.constant 16 : i32
        %mul3A_347 = arith.muli %scan3A_345, %mul3A_346 : i32
        %get3A_348 = arith.index_cast %mul3A_347 : i32 to index
        %get3A_349 = tpu.vector_load %arg4[%get3A_348] {strides = array<i32>} : memref<32768xf32, #tpu.memory_space<vmem>>, vector<16xf32>,
        %max3A_350 = arith.constant 0.000000e+00 : f32
        %max3A_351 = vector.broadcast %max3A_350 : f32 to vector<16xf32>
        %max3A_352 = arith.maximumf %get3A_349, %max3A_351 : vector<16xf32>
        %bitcast3A_353 = vector.bitcast %max3A_352 : vector<16xf32> to vector<16xi32>
        %shift_right_arithmetic3A_354 = arith.constant 19 : i32
        %shift_right_arithmetic3A_355 = vector.broadcast %shift_right_arithmetic3A_354 : i32 to vector<16xi32>
        %shift_right_arithmetic3A_356 = arith.shrsi %bitcast3A_353, %shift_right_arithmetic3A_355 : vector<16xi32>
        tpu.vector_store_idx %arg7[%shift_right_arithmetic3A_356], %broadcast_in_dim3A_1 {add = true} : memref<4096xi32, #tpu.memory_space<vmem>>[vector<16xi32>], vector<16xi32>,
        %ge3A_357 = vector.broadcast %scan3A_30 : i32 to vector<16xi32>
        %ge3A_358 = arith.cmpi sge, %shift_right_arithmetic3A_356, %ge3A_357 : vector<16xi32>
        %convert_element_type3A_359 = arith.extui %ge3A_358 : vector<16xi1> to vector<16xi32>
        %broadcast_in_dim3A_360 = arith.constant true
        %broadcast_in_dim3A_361 = vector.broadcast %broadcast_in_dim3A_360 : i1 to vector<16xi1>
        %masked_cumsum3A_362 = tpu.scan <sum>, %convert_element_type3A_359 masked %broadcast_in_dim3A_361 : vector<16xi32>, vector<16xi1> -> vector<16xi32>
        %sub3A_363 = arith.subi %masked_cumsum3A_362, %convert_element_type3A_359 : vector<16xi32>
        %add3A_364 = vector.broadcast %add3A_343 : i32 to vector<16xi32>
        %add3A_365 = arith.addi %add3A_364, %sub3A_363 : vector<16xi32>
        %add3A_366 = vector.broadcast %mul3A_347 : i32 to vector<16xi32>
        %add3A_367 = arith.addi %add3A_366, %iota3A : vector<16xi32>
        tpu.vector_store_idx %arg6[%add3A_365], %add3A_367 masked %ge3A_358 : memref<32768xi32, #tpu.memory_space<vmem>>[vector<16xi32>], vector<16xi32>, vector<16xi1>
        %reduce_sum3A_368 = arith.constant true
        %reduce_sum3A_369 = vector.broadcast %reduce_sum3A_368 : i1 to vector<16xi1>
        %reduce_sum3A_370 = tpu.scan <sum>, %convert_element_type3A_359 masked %reduce_sum3A_369 : vector<16xi32>, vector<16xi1> -> vector<16xi32>
        %reduce_sum3A_371 = vector.extract %reduce_sum3A_370[15] : i32 from vector<16xi32>
        %add3A_372 = arith.addi %add3A_343, %reduce_sum3A_371 : i32
        %scan3A_373 = arith.constant 3 : i32
        %scan3A_374 = arith.addi %scan3A_289, %scan3A_373 : i32
        %mul3A_375 = arith.constant 16 : i32
        %mul3A_376 = arith.muli %scan3A_374, %mul3A_375 : i32
        %get3A_377 = arith.index_cast %mul3A_376 : i32 to index
        %get3A_378 = tpu.vector_load %arg4[%get3A_377] {strides = array<i32>} : memref<32768xf32, #tpu.memory_space<vmem>>, vector<16xf32>,
        %max3A_379 = arith.constant 0.000000e+00 : f32
        %max3A_380 = vector.broadcast %max3A_379 : f32 to vector<16xf32>
        %max3A_381 = arith.maximumf %get3A_378, %max3A_380 : vector<16xf32>
        %bitcast3A_382 = vector.bitcast %max3A_381 : vector<16xf32> to vector<16xi32>
        %shift_right_arithmetic3A_383 = arith.constant 19 : i32
        %shift_right_arithmetic3A_384 = vector.broadcast %shift_right_arithmetic3A_383 : i32 to vector<16xi32>
        %shift_right_arithmetic3A_385 = arith.shrsi %bitcast3A_382, %shift_right_arithmetic3A_384 : vector<16xi32>
        tpu.vector_store_idx %arg7[%shift_right_arithmetic3A_385], %broadcast_in_dim3A_1 {add = true} : memref<4096xi32, #tpu.memory_space<vmem>>[vector<16xi32>], vector<16xi32>,
        %ge3A_386 = vector.broadcast %scan3A_30 : i32 to vector<16xi32>
        %ge3A_387 = arith.cmpi sge, %shift_right_arithmetic3A_385, %ge3A_386 : vector<16xi32>
        %convert_element_type3A_388 = arith.extui %ge3A_387 : vector<16xi1> to vector<16xi32>
        %broadcast_in_dim3A_389 = arith.constant true
        %broadcast_in_dim3A_390 = vector.broadcast %broadcast_in_dim3A_389 : i1 to vector<16xi1>
        %masked_cumsum3A_391 = tpu.scan <sum>, %convert_element_type3A_388 masked %broadcast_in_dim3A_390 : vector<16xi32>, vector<16xi1> -> vector<16xi32>
        %sub3A_392 = arith.subi %masked_cumsum3A_391, %convert_element_type3A_388 : vector<16xi32>
        %add3A_393 = vector.broadcast %add3A_372 : i32 to vector<16xi32>
        %add3A_394 = arith.addi %add3A_393, %sub3A_392 : vector<16xi32>
        %add3A_395 = vector.broadcast %mul3A_376 : i32 to vector<16xi32>
        %add3A_396 = arith.addi %add3A_395, %iota3A : vector<16xi32>
        tpu.vector_store_idx %arg6[%add3A_394], %add3A_396 masked %ge3A_387 : memref<32768xi32, #tpu.memory_space<vmem>>[vector<16xi32>], vector<16xi32>, vector<16xi1>
        %reduce_sum3A_397 = arith.constant true
        %reduce_sum3A_398 = vector.broadcast %reduce_sum3A_397 : i1 to vector<16xi1>
        %reduce_sum3A_399 = tpu.scan <sum>, %convert_element_type3A_388 masked %reduce_sum3A_398 : vector<16xi32>, vector<16xi1> -> vector<16xi32>
        %reduce_sum3A_400 = vector.extract %reduce_sum3A_399[15] : i32 from vector<16xi32>
        %add3A_401 = arith.addi %add3A_372, %reduce_sum3A_400 : i32
        %scan3A_402 = arith.constant 4 : i32
        %scan3A_403 = arith.addi %scan3A_289, %scan3A_402 : i32
        %mul3A_404 = arith.constant 16 : i32
        %mul3A_405 = arith.muli %scan3A_403, %mul3A_404 : i32
        %get3A_406 = arith.index_cast %mul3A_405 : i32 to index
        %get3A_407 = tpu.vector_load %arg4[%get3A_406] {strides = array<i32>} : memref<32768xf32, #tpu.memory_space<vmem>>, vector<16xf32>,
        %max3A_408 = arith.constant 0.000000e+00 : f32
        %max3A_409 = vector.broadcast %max3A_408 : f32 to vector<16xf32>
        %max3A_410 = arith.maximumf %get3A_407, %max3A_409 : vector<16xf32>
        %bitcast3A_411 = vector.bitcast %max3A_410 : vector<16xf32> to vector<16xi32>
        %shift_right_arithmetic3A_412 = arith.constant 19 : i32
        %shift_right_arithmetic3A_413 = vector.broadcast %shift_right_arithmetic3A_412 : i32 to vector<16xi32>
        %shift_right_arithmetic3A_414 = arith.shrsi %bitcast3A_411, %shift_right_arithmetic3A_413 : vector<16xi32>
        tpu.vector_store_idx %arg7[%shift_right_arithmetic3A_414], %broadcast_in_dim3A_1 {add = true} : memref<4096xi32, #tpu.memory_space<vmem>>[vector<16xi32>], vector<16xi32>,
        %ge3A_415 = vector.broadcast %scan3A_30 : i32 to vector<16xi32>
        %ge3A_416 = arith.cmpi sge, %shift_right_arithmetic3A_414, %ge3A_415 : vector<16xi32>
        %convert_element_type3A_417 = arith.extui %ge3A_416 : vector<16xi1> to vector<16xi32>
        %broadcast_in_dim3A_418 = arith.constant true
        %broadcast_in_dim3A_419 = vector.broadcast %broadcast_in_dim3A_418 : i1 to vector<16xi1>
        %masked_cumsum3A_420 = tpu.scan <sum>, %convert_element_type3A_417 masked %broadcast_in_dim3A_419 : vector<16xi32>, vector<16xi1> -> vector<16xi32>
        %sub3A_421 = arith.subi %masked_cumsum3A_420, %convert_element_type3A_417 : vector<16xi32>
        %add3A_422 = vector.broadcast %add3A_401 : i32 to vector<16xi32>
        %add3A_423 = arith.addi %add3A_422, %sub3A_421 : vector<16xi32>
        %add3A_424 = vector.broadcast %mul3A_405 : i32 to vector<16xi32>
        %add3A_425 = arith.addi %add3A_424, %iota3A : vector<16xi32>
        tpu.vector_store_idx %arg6[%add3A_423], %add3A_425 masked %ge3A_416 : memref<32768xi32, #tpu.memory_space<vmem>>[vector<16xi32>], vector<16xi32>, vector<16xi1>
        %reduce_sum3A_426 = arith.constant true
        %reduce_sum3A_427 = vector.broadcast %reduce_sum3A_426 : i1 to vector<16xi1>
        %reduce_sum3A_428 = tpu.scan <sum>, %convert_element_type3A_417 masked %reduce_sum3A_427 : vector<16xi32>, vector<16xi1> -> vector<16xi32>
        %reduce_sum3A_429 = vector.extract %reduce_sum3A_428[15] : i32 from vector<16xi32>
        %add3A_430 = arith.addi %add3A_401, %reduce_sum3A_429 : i32
        %scan3A_431 = arith.constant 5 : i32
        %scan3A_432 = arith.addi %scan3A_289, %scan3A_431 : i32
        %mul3A_433 = arith.constant 16 : i32
        %mul3A_434 = arith.muli %scan3A_432, %mul3A_433 : i32
        %get3A_435 = arith.index_cast %mul3A_434 : i32 to index
        %get3A_436 = tpu.vector_load %arg4[%get3A_435] {strides = array<i32>} : memref<32768xf32, #tpu.memory_space<vmem>>, vector<16xf32>,
        %max3A_437 = arith.constant 0.000000e+00 : f32
        %max3A_438 = vector.broadcast %max3A_437 : f32 to vector<16xf32>
        %max3A_439 = arith.maximumf %get3A_436, %max3A_438 : vector<16xf32>
        %bitcast3A_440 = vector.bitcast %max3A_439 : vector<16xf32> to vector<16xi32>
        %shift_right_arithmetic3A_441 = arith.constant 19 : i32
        %shift_right_arithmetic3A_442 = vector.broadcast %shift_right_arithmetic3A_441 : i32 to vector<16xi32>
        %shift_right_arithmetic3A_443 = arith.shrsi %bitcast3A_440, %shift_right_arithmetic3A_442 : vector<16xi32>
        tpu.vector_store_idx %arg7[%shift_right_arithmetic3A_443], %broadcast_in_dim3A_1 {add = true} : memref<4096xi32, #tpu.memory_space<vmem>>[vector<16xi32>], vector<16xi32>,
        %ge3A_444 = vector.broadcast %scan3A_30 : i32 to vector<16xi32>
        %ge3A_445 = arith.cmpi sge, %shift_right_arithmetic3A_443, %ge3A_444 : vector<16xi32>
        %convert_element_type3A_446 = arith.extui %ge3A_445 : vector<16xi1> to vector<16xi32>
        %broadcast_in_dim3A_447 = arith.constant true
        %broadcast_in_dim3A_448 = vector.broadcast %broadcast_in_dim3A_447 : i1 to vector<16xi1>
        %masked_cumsum3A_449 = tpu.scan <sum>, %convert_element_type3A_446 masked %broadcast_in_dim3A_448 : vector<16xi32>, vector<16xi1> -> vector<16xi32>
        %sub3A_450 = arith.subi %masked_cumsum3A_449, %convert_element_type3A_446 : vector<16xi32>
        %add3A_451 = vector.broadcast %add3A_430 : i32 to vector<16xi32>
        %add3A_452 = arith.addi %add3A_451, %sub3A_450 : vector<16xi32>
        %add3A_453 = vector.broadcast %mul3A_434 : i32 to vector<16xi32>
        %add3A_454 = arith.addi %add3A_453, %iota3A : vector<16xi32>
        tpu.vector_store_idx %arg6[%add3A_452], %add3A_454 masked %ge3A_445 : memref<32768xi32, #tpu.memory_space<vmem>>[vector<16xi32>], vector<16xi32>, vector<16xi1>
        %reduce_sum3A_455 = arith.constant true
        %reduce_sum3A_456 = vector.broadcast %reduce_sum3A_455 : i1 to vector<16xi1>
        %reduce_sum3A_457 = tpu.scan <sum>, %convert_element_type3A_446 masked %reduce_sum3A_456 : vector<16xi32>, vector<16xi1> -> vector<16xi32>
        %reduce_sum3A_458 = vector.extract %reduce_sum3A_457[15] : i32 from vector<16xi32>
        %add3A_459 = arith.addi %add3A_430, %reduce_sum3A_458 : i32
        %scan3A_460 = arith.constant 6 : i32
        %scan3A_461 = arith.addi %scan3A_289, %scan3A_460 : i32
        %mul3A_462 = arith.constant 16 : i32
        %mul3A_463 = arith.muli %scan3A_461, %mul3A_462 : i32
        %get3A_464 = arith.index_cast %mul3A_463 : i32 to index
        %get3A_465 = tpu.vector_load %arg4[%get3A_464] {strides = array<i32>} : memref<32768xf32, #tpu.memory_space<vmem>>, vector<16xf32>,
        %max3A_466 = arith.constant 0.000000e+00 : f32
        %max3A_467 = vector.broadcast %max3A_466 : f32 to vector<16xf32>
        %max3A_468 = arith.maximumf %get3A_465, %max3A_467 : vector<16xf32>
        %bitcast3A_469 = vector.bitcast %max3A_468 : vector<16xf32> to vector<16xi32>
        %shift_right_arithmetic3A_470 = arith.constant 19 : i32
        %shift_right_arithmetic3A_471 = vector.broadcast %shift_right_arithmetic3A_470 : i32 to vector<16xi32>
        %shift_right_arithmetic3A_472 = arith.shrsi %bitcast3A_469, %shift_right_arithmetic3A_471 : vector<16xi32>
        tpu.vector_store_idx %arg7[%shift_right_arithmetic3A_472], %broadcast_in_dim3A_1 {add = true} : memref<4096xi32, #tpu.memory_space<vmem>>[vector<16xi32>], vector<16xi32>,
        %ge3A_473 = vector.broadcast %scan3A_30 : i32 to vector<16xi32>
        %ge3A_474 = arith.cmpi sge, %shift_right_arithmetic3A_472, %ge3A_473 : vector<16xi32>
        %convert_element_type3A_475 = arith.extui %ge3A_474 : vector<16xi1> to vector<16xi32>
        %broadcast_in_dim3A_476 = arith.constant true
        %broadcast_in_dim3A_477 = vector.broadcast %broadcast_in_dim3A_476 : i1 to vector<16xi1>
        %masked_cumsum3A_478 = tpu.scan <sum>, %convert_element_type3A_475 masked %broadcast_in_dim3A_477 : vector<16xi32>, vector<16xi1> -> vector<16xi32>
        %sub3A_479 = arith.subi %masked_cumsum3A_478, %convert_element_type3A_475 : vector<16xi32>
        %add3A_480 = vector.broadcast %add3A_459 : i32 to vector<16xi32>
        %add3A_481 = arith.addi %add3A_480, %sub3A_479 : vector<16xi32>
        %add3A_482 = vector.broadcast %mul3A_463 : i32 to vector<16xi32>
        %add3A_483 = arith.addi %add3A_482, %iota3A : vector<16xi32>
        tpu.vector_store_idx %arg6[%add3A_481], %add3A_483 masked %ge3A_474 : memref<32768xi32, #tpu.memory_space<vmem>>[vector<16xi32>], vector<16xi32>, vector<16xi1>
        %reduce_sum3A_484 = arith.constant true
        %reduce_sum3A_485 = vector.broadcast %reduce_sum3A_484 : i1 to vector<16xi1>
        %reduce_sum3A_486 = tpu.scan <sum>, %convert_element_type3A_475 masked %reduce_sum3A_485 : vector<16xi32>, vector<16xi1> -> vector<16xi32>
        %reduce_sum3A_487 = vector.extract %reduce_sum3A_486[15] : i32 from vector<16xi32>
        %add3A_488 = arith.addi %add3A_459, %reduce_sum3A_487 : i32
        %scan3A_489 = arith.constant 7 : i32
        %scan3A_490 = arith.addi %scan3A_289, %scan3A_489 : i32
        %mul3A_491 = arith.constant 16 : i32
        %mul3A_492 = arith.muli %scan3A_490, %mul3A_491 : i32
        %get3A_493 = arith.index_cast %mul3A_492 : i32 to index
        %get3A_494 = tpu.vector_load %arg4[%get3A_493] {strides = array<i32>} : memref<32768xf32, #tpu.memory_space<vmem>>, vector<16xf32>,
        %max3A_495 = arith.constant 0.000000e+00 : f32
        %max3A_496 = vector.broadcast %max3A_495 : f32 to vector<16xf32>
        %max3A_497 = arith.maximumf %get3A_494, %max3A_496 : vector<16xf32>
        %bitcast3A_498 = vector.bitcast %max3A_497 : vector<16xf32> to vector<16xi32>
        %shift_right_arithmetic3A_499 = arith.constant 19 : i32
        %shift_right_arithmetic3A_500 = vector.broadcast %shift_right_arithmetic3A_499 : i32 to vector<16xi32>
        %shift_right_arithmetic3A_501 = arith.shrsi %bitcast3A_498, %shift_right_arithmetic3A_500 : vector<16xi32>
        tpu.vector_store_idx %arg7[%shift_right_arithmetic3A_501], %broadcast_in_dim3A_1 {add = true} : memref<4096xi32, #tpu.memory_space<vmem>>[vector<16xi32>], vector<16xi32>,
        %ge3A_502 = vector.broadcast %scan3A_30 : i32 to vector<16xi32>
        %ge3A_503 = arith.cmpi sge, %shift_right_arithmetic3A_501, %ge3A_502 : vector<16xi32>
        %convert_element_type3A_504 = arith.extui %ge3A_503 : vector<16xi1> to vector<16xi32>
        %broadcast_in_dim3A_505 = arith.constant true
        %broadcast_in_dim3A_506 = vector.broadcast %broadcast_in_dim3A_505 : i1 to vector<16xi1>
        %masked_cumsum3A_507 = tpu.scan <sum>, %convert_element_type3A_504 masked %broadcast_in_dim3A_506 : vector<16xi32>, vector<16xi1> -> vector<16xi32>
        %sub3A_508 = arith.subi %masked_cumsum3A_507, %convert_element_type3A_504 : vector<16xi32>
        %add3A_509 = vector.broadcast %add3A_488 : i32 to vector<16xi32>
        %add3A_510 = arith.addi %add3A_509, %sub3A_508 : vector<16xi32>
        %add3A_511 = vector.broadcast %mul3A_492 : i32 to vector<16xi32>
        %add3A_512 = arith.addi %add3A_511, %iota3A : vector<16xi32>
        tpu.vector_store_idx %arg6[%add3A_510], %add3A_512 masked %ge3A_503 : memref<32768xi32, #tpu.memory_space<vmem>>[vector<16xi32>], vector<16xi32>, vector<16xi1>
        %reduce_sum3A_513 = arith.constant true
        %reduce_sum3A_514 = vector.broadcast %reduce_sum3A_513 : i1 to vector<16xi1>
        %reduce_sum3A_515 = tpu.scan <sum>, %convert_element_type3A_504 masked %reduce_sum3A_514 : vector<16xi32>, vector<16xi1> -> vector<16xi32>
        %reduce_sum3A_516 = vector.extract %reduce_sum3A_515[15] : i32 from vector<16xi32>
        %add3A_517 = arith.addi %add3A_488, %reduce_sum3A_516 : i32
        scf.yield %add3A_517 : i32
      }
      %scan3A_40 = arith.constant 2048 : i32
      %while3A = arith.constant 64 : i32
      %while3A_41 = arith.constant 255 : i32
      %while3A_42 = arith.constant 0 : i32
      %while3A_43:2 = scf.while (%while3A_289 = %while3A_41, %while3A_290 = %while3A_42) : (i32, i32) -> (i32, i32) {
        %lt3A = arith.cmpi slt, %while3A_290, %while3A : i32
        scf.condition(%lt3A) %while3A_289, %while3A_290 : i32, i32
      } do {
      ^bb0(%while3A_289: i32, %while3A_290: i32):
        %mul3A_291 = arith.constant 16 : i32
        %mul3A_292 = arith.muli %while3A_289, %mul3A_291 : i32
        %get3A_293 = arith.index_cast %mul3A_292 : i32 to index
        %get3A_294 = tpu.vector_load %arg7[%get3A_293] {strides = array<i32>} : memref<4096xi32, #tpu.memory_space<vmem>>, vector<16xi32>,
        %reduce_sum3A_295 = arith.constant true
        %reduce_sum3A_296 = vector.broadcast %reduce_sum3A_295 : i1 to vector<16xi1>
        %reduce_sum3A_297 = tpu.scan <sum>, %get3A_294 masked %reduce_sum3A_296 : vector<16xi32>, vector<16xi1> -> vector<16xi32>
        %reduce_sum3A_298 = vector.extract %reduce_sum3A_297[15] : i32 from vector<16xi32>
        %sub3A_299 = arith.constant 1 : i32
        %sub3A_300 = arith.subi %while3A_289, %sub3A_299 : i32
        %add3A_301 = arith.addi %while3A_290, %reduce_sum3A_298 : i32
        scf.yield %sub3A_300, %add3A_301 : i32, i32
      }
      %add3A_44 = arith.constant 1 : i32
      %add3A_45 = arith.addi %while3A_43#0, %add3A_44 : i32
      %mul3A_46 = arith.constant 16 : i32
      %mul3A_47 = arith.muli %add3A_45, %mul3A_46 : i32
      %get3A = arith.index_cast %mul3A_47 : i32 to index
      %get3A_48 = tpu.vector_load %arg7[%get3A] {strides = array<i32>} : memref<4096xi32, #tpu.memory_space<vmem>>, vector<16xi32>,
      %reduce_sum3A = arith.constant true
      %reduce_sum3A_49 = vector.broadcast %reduce_sum3A : i1 to vector<16xi1>
      %reduce_sum3A_50 = tpu.scan <sum>, %get3A_48 masked %reduce_sum3A_49 : vector<16xi32>, vector<16xi1> -> vector<16xi32>
      %reduce_sum3A_51 = vector.extract %reduce_sum3A_50[15] : i32 from vector<16xi32>
      %sub3A = arith.subi %while3A_43#1, %reduce_sum3A_51 : i32
      %rev3A = arith.constant 15 : i32
      %rev3A_52 = vector.broadcast %rev3A : i32 to vector<16xi32>
      %rev3A_53 = tpu.iota {dimensions = array<i32: 0>} : vector<16xi32>
      %rev3A_54 = arith.subi %rev3A_52, %rev3A_53 : vector<16xi32>
      %rev3A_55 = tpu.dynamic_gather %get3A_48[%rev3A_54] in [0] : vector<16xi32>, vector<16xi32> -> vector<16xi32>
      %broadcast_in_dim3A_56 = arith.constant true
      %broadcast_in_dim3A_57 = vector.broadcast %broadcast_in_dim3A_56 : i1 to vector<16xi1>
      %masked_cumsum3A = tpu.scan <sum>, %rev3A_55 masked %broadcast_in_dim3A_57 : vector<16xi32>, vector<16xi1> -> vector<16xi32>
      %sub3A_58 = arith.constant 64 : i32
      %sub3A_59 = arith.subi %sub3A_58, %sub3A : i32
      %ge3A = vector.broadcast %sub3A_59 : i32 to vector<16xi32>
      %ge3A_60 = arith.cmpi sge, %masked_cumsum3A, %ge3A : vector<16xi32>
      %all_reduce_ffs3A = tpu.all_reduce %ge3A_60 {dim = 0 : i64, kind = #tpu.reduction_kind<find_first_set>} : vector<16xi1> -> vector<16xi32>
      %iota3A_61 = tpu.iota {dimensions = array<i32: 0>} : vector<16xi32>
      %eq3A = arith.cmpi eq, %iota3A_61, %all_reduce_ffs3A : vector<16xi32>
      %jit3A = arith.constant 0 : i32
      %broadcast_in_dim3A_62 = vector.broadcast %jit3A : i32 to vector<16xi32>
      %select_n3A = arith.select %eq3A, %iota3A_61, %broadcast_in_dim3A_62 : vector<16xi1>, vector<16xi32>
      %reduce_sum3A_63 = arith.constant true
      %reduce_sum3A_64 = vector.broadcast %reduce_sum3A_63 : i1 to vector<16xi1>
      %reduce_sum3A_65 = tpu.scan <sum>, %select_n3A masked %reduce_sum3A_64 : vector<16xi32>, vector<16xi1> -> vector<16xi32>
      %reduce_sum3A_66 = vector.extract %reduce_sum3A_65[15] : i32 from vector<16xi32>
      %eq3A_67 = vector.broadcast %reduce_sum3A_66 : i32 to vector<16xi32>
      %eq3A_68 = arith.cmpi eq, %iota3A_61, %eq3A_67 : vector<16xi32>
      %jit3A_69 = arith.constant 0 : i32
      %broadcast_in_dim3A_70 = vector.broadcast %jit3A_69 : i32 to vector<16xi32>
      %select_n3A_71 = arith.select %eq3A_68, %masked_cumsum3A, %broadcast_in_dim3A_70 : vector<16xi1>, vector<16xi32>
      %reduce_sum3A_72 = arith.constant true
      %reduce_sum3A_73 = vector.broadcast %reduce_sum3A_72 : i1 to vector<16xi1>
      %reduce_sum3A_74 = tpu.scan <sum>, %select_n3A_71 masked %reduce_sum3A_73 : vector<16xi32>, vector<16xi1> -> vector<16xi32>
      %reduce_sum3A_75 = vector.extract %reduce_sum3A_74[15] : i32 from vector<16xi32>
      %eq3A_76 = vector.broadcast %reduce_sum3A_66 : i32 to vector<16xi32>
      %eq3A_77 = arith.cmpi eq, %iota3A_61, %eq3A_76 : vector<16xi32>
      %jit3A_78 = arith.constant 0 : i32
      %broadcast_in_dim3A_79 = vector.broadcast %jit3A_78 : i32 to vector<16xi32>
      %select_n3A_80 = arith.select %eq3A_77, %rev3A_55, %broadcast_in_dim3A_79 : vector<16xi1>, vector<16xi32>
      %reduce_sum3A_81 = arith.constant true
      %reduce_sum3A_82 = vector.broadcast %reduce_sum3A_81 : i1 to vector<16xi1>
      %reduce_sum3A_83 = tpu.scan <sum>, %select_n3A_80 masked %reduce_sum3A_82 : vector<16xi32>, vector<16xi1> -> vector<16xi32>
      %reduce_sum3A_84 = vector.extract %reduce_sum3A_83[15] : i32 from vector<16xi32>
      %mul3A_85 = arith.constant 16 : i32
      %mul3A_86 = arith.muli %add3A_45, %mul3A_85 : i32
      %sub3A_87 = arith.constant 15 : i32
      %sub3A_88 = arith.subi %sub3A_87, %reduce_sum3A_66 : i32
      %add3A_89 = arith.addi %mul3A_86, %sub3A_88 : i32
      %add3A_90 = arith.addi %sub3A, %reduce_sum3A_75 : i32
      %sub3A_91 = arith.subi %add3A_90, %reduce_sum3A_84 : i32
      %sub3A_92 = arith.constant 64 : i32
      %sub3A_93 = arith.subi %sub3A_92, %sub3A_91 : i32
      %broadcast_in_dim3A_94 = arith.constant 0 : i32
      %broadcast_in_dim3A_95 = vector.broadcast %broadcast_in_dim3A_94 : i32 to vector<16xi32>
      %parallel_loop3A_96 = arith.constant 0 : i32
      %parallel_loop3A_97 = arith.constant 4096 : i32
      %parallel_loop3A_98 = arith.constant 16 : i32
      scf.for %parallel_loop3A_289 = %parallel_loop3A_96 to %parallel_loop3A_97 step %parallel_loop3A_98  : i32 {
        %parallel_loop3A_290 = arith.index_cast %parallel_loop3A_289 : i32 to index
        %parallel_loop3A_291 = tpu.vector_load %arg7[%parallel_loop3A_290] {strides = array<i32>} : memref<4096xi32, #tpu.memory_space<vmem>>, vector<16xi32>,
        tpu.vector_store %arg7[%parallel_loop3A_290], %broadcast_in_dim3A_95 {strides = array<i32>} : memref<4096xi32, #tpu.memory_space<vmem>>, vector<16xi32>,
      } {sc.loop_unroll_factor = 8 : i64, sc.parallel_access}
      %le3A = arith.cmpi sle, %scan3A_30, %add3A_89 : i32
      %jit3A_99 = arith.constant 0 : i32
      %jit3A_100 = arith.constant 2048 : i32
      %select_n3A_101 = arith.select %le3A, %jit3A_99, %jit3A_100 : i32
      %while3A_102 = arith.constant 0 : i32
      %while3A_103 = arith.constant 0 : i32
      %while3A_104 = arith.subi %select_n3A_101, %while3A_102 : i32
      %while3A_105 = arith.addi %while3A_102, %while3A_104 : i32
      %while3A_106 = arith.constant 1 : i32
      %while3A_107 = arith.divsi %while3A_104, %while3A_106 : i32
      %while3A_108 = arith.muli %while3A_107, %while3A_106 : i32
      %while3A_109 = arith.addi %while3A_102, %while3A_108 : i32
      %while3A_110 = arith.constant 1 : i32
      %while3A_111 = scf.for %while3A_289 = %while3A_102 to %while3A_109 step %while3A_110 iter_args(%while3A_290 = %while3A_103) -> (i32)  : i32 {
        %mul3A_291 = arith.constant 16 : i32
        %mul3A_292 = arith.muli %while3A_289, %mul3A_291 : i32
        %get3A_293 = arith.index_cast %mul3A_292 : i32 to index
        %get3A_294 = tpu.vector_load %arg4[%get3A_293] {strides = array<i32>} : memref<32768xf32, #tpu.memory_space<vmem>>, vector<16xf32>,
        %max3A_295 = arith.constant 0.000000e+00 : f32
        %max3A_296 = vector.broadcast %max3A_295 : f32 to vector<16xf32>
        %max3A_297 = arith.maximumf %get3A_294, %max3A_296 : vector<16xf32>
        %bitcast3A = vector.bitcast %max3A_297 : vector<16xf32> to vector<16xi32>
        %shift_right_arithmetic3A = arith.constant 19 : i32
        %shift_right_arithmetic3A_298 = vector.broadcast %shift_right_arithmetic3A : i32 to vector<16xi32>
        %shift_right_arithmetic3A_299 = arith.shrsi %bitcast3A, %shift_right_arithmetic3A_298 : vector<16xi32>
        %ge3A_300 = vector.broadcast %add3A_89 : i32 to vector<16xi32>
        %ge3A_301 = arith.cmpi sge, %shift_right_arithmetic3A_299, %ge3A_300 : vector<16xi32>
        %convert_element_type3A = arith.extui %ge3A_301 : vector<16xi1> to vector<16xi32>
        %broadcast_in_dim3A_302 = arith.constant true
        %broadcast_in_dim3A_303 = vector.broadcast %broadcast_in_dim3A_302 : i1 to vector<16xi1>
        %masked_cumsum3A_304 = tpu.scan <sum>, %convert_element_type3A masked %broadcast_in_dim3A_303 : vector<16xi32>, vector<16xi1> -> vector<16xi32>
        %sub3A_305 = arith.subi %masked_cumsum3A_304, %convert_element_type3A : vector<16xi32>
        %add3A_306 = vector.broadcast %while3A_290 : i32 to vector<16xi32>
        %add3A_307 = arith.addi %add3A_306, %sub3A_305 : vector<16xi32>
        %add3A_308 = vector.broadcast %mul3A_292 : i32 to vector<16xi32>
        %add3A_309 = arith.addi %add3A_308, %iota3A : vector<16xi32>
        tpu.vector_store_idx %arg6[%add3A_307], %add3A_309 masked %ge3A_301 : memref<32768xi32, #tpu.memory_space<vmem>>[vector<16xi32>], vector<16xi32>, vector<16xi1>
        %reduce_sum3A_310 = arith.constant true
        %reduce_sum3A_311 = vector.broadcast %reduce_sum3A_310 : i1 to vector<16xi1>
        %reduce_sum3A_312 = tpu.scan <sum>, %convert_element_type3A masked %reduce_sum3A_311 : vector<16xi32>, vector<16xi1> -> vector<16xi32>
        %reduce_sum3A_313 = vector.extract %reduce_sum3A_312[15] : i32 from vector<16xi32>
        %add3A_314 = arith.addi %while3A_290, %reduce_sum3A_313 : i32
        scf.yield %add3A_314 : i32
      }
      %while3A_112 = arith.constant 1 : i32
      %while3A_113 = scf.for %while3A_289 = %while3A_109 to %while3A_105 step %while3A_112 iter_args(%while3A_290 = %while3A_111) -> (i32)  : i32 {
        %mul3A_291 = arith.constant 16 : i32
        %mul3A_292 = arith.muli %while3A_289, %mul3A_291 : i32
        %get3A_293 = arith.index_cast %mul3A_292 : i32 to index
        %get3A_294 = tpu.vector_load %arg4[%get3A_293] {strides = array<i32>} : memref<32768xf32, #tpu.memory_space<vmem>>, vector<16xf32>,
        %max3A_295 = arith.constant 0.000000e+00 : f32
        %max3A_296 = vector.broadcast %max3A_295 : f32 to vector<16xf32>
        %max3A_297 = arith.maximumf %get3A_294, %max3A_296 : vector<16xf32>
        %bitcast3A = vector.bitcast %max3A_297 : vector<16xf32> to vector<16xi32>
        %shift_right_arithmetic3A = arith.constant 19 : i32
        %shift_right_arithmetic3A_298 = vector.broadcast %shift_right_arithmetic3A : i32 to vector<16xi32>
        %shift_right_arithmetic3A_299 = arith.shrsi %bitcast3A, %shift_right_arithmetic3A_298 : vector<16xi32>
        %ge3A_300 = vector.broadcast %add3A_89 : i32 to vector<16xi32>
        %ge3A_301 = arith.cmpi sge, %shift_right_arithmetic3A_299, %ge3A_300 : vector<16xi32>
        %convert_element_type3A = arith.extui %ge3A_301 : vector<16xi1> to vector<16xi32>
        %broadcast_in_dim3A_302 = arith.constant true
        %broadcast_in_dim3A_303 = vector.broadcast %broadcast_in_dim3A_302 : i1 to vector<16xi1>
        %masked_cumsum3A_304 = tpu.scan <sum>, %convert_element_type3A masked %broadcast_in_dim3A_303 : vector<16xi32>, vector<16xi1> -> vector<16xi32>
        %sub3A_305 = arith.subi %masked_cumsum3A_304, %convert_element_type3A : vector<16xi32>
        %add3A_306 = vector.broadcast %while3A_290 : i32 to vector<16xi32>
        %add3A_307 = arith.addi %add3A_306, %sub3A_305 : vector<16xi32>
        %add3A_308 = vector.broadcast %mul3A_292 : i32 to vector<16xi32>
        %add3A_309 = arith.addi %add3A_308, %iota3A : vector<16xi32>
        tpu.vector_store_idx %arg6[%add3A_307], %add3A_309 masked %ge3A_301 : memref<32768xi32, #tpu.memory_space<vmem>>[vector<16xi32>], vector<16xi32>, vector<16xi1>
        %reduce_sum3A_310 = arith.constant true
        %reduce_sum3A_311 = vector.broadcast %reduce_sum3A_310 : i1 to vector<16xi1>
        %reduce_sum3A_312 = tpu.scan <sum>, %convert_element_type3A masked %reduce_sum3A_311 : vector<16xi32>, vector<16xi1> -> vector<16xi32>
        %reduce_sum3A_313 = vector.extract %reduce_sum3A_312[15] : i32 from vector<16xi32>
        %add3A_314 = arith.addi %while3A_290, %reduce_sum3A_313 : i32
        scf.yield %add3A_314 : i32
      }
      %select_n3A_114 = arith.select %le3A, %scan3A_39, %while3A_113 : i32
      %add3A_115 = arith.constant 15 : i32
      %add3A_116 = arith.addi %select_n3A_114, %add3A_115 : i32
      %shift_right_logical3A = arith.constant 4 : i32
      %shift_right_logical3A_117 = arith.shrui %add3A_116, %shift_right_logical3A : i32
      %while3A_118 = arith.constant 0 : i32
      %while3A_119 = arith.constant 0 : i32
      %while3A_120 = arith.subi %shift_right_logical3A_117, %while3A_119 : i32
      %while3A_121 = arith.addi %while3A_119, %while3A_120 : i32
      %while3A_122 = arith.constant 1 : i32
      %while3A_123 = arith.divsi %while3A_120, %while3A_122 : i32
      %while3A_124 = arith.muli %while3A_123, %while3A_122 : i32
      %while3A_125 = arith.addi %while3A_119, %while3A_124 : i32
      %while3A_126 = arith.constant 1 : i32
      scf.for %while3A_289 = %while3A_119 to %while3A_125 step %while3A_126  : i32 {
        %mul3A_290 = arith.constant 16 : i32
        %mul3A_291 = arith.muli %while3A_289, %mul3A_290 : i32
        %add3A_292 = vector.broadcast %mul3A_291 : i32 to vector<16xi32>
        %add3A_293 = arith.addi %add3A_292, %iota3A : vector<16xi32>
        %lt3A = vector.broadcast %select_n3A_114 : i32 to vector<16xi32>
        %lt3A_294 = arith.cmpi slt, %add3A_293, %lt3A : vector<16xi32>
        %get3A_295 = arith.index_cast %mul3A_291 : i32 to index
        %get3A_296 = tpu.vector_load %arg6[%get3A_295] {strides = array<i32>} : memref<32768xi32, #tpu.memory_space<vmem>>, vector<16xi32>,
        %gather3A = tpu.vector_load_idx %arg4[%get3A_296] masked %lt3A_294 : memref<32768xf32, #tpu.memory_space<vmem>>[vector<16xi32>], vector<16xf32>, vector<16xi1>
        %max3A_297 = arith.constant 0.000000e+00 : f32
        %max3A_298 = vector.broadcast %max3A_297 : f32 to vector<16xf32>
        %max3A_299 = arith.maximumf %gather3A, %max3A_298 : vector<16xf32>
        %bitcast3A = vector.bitcast %max3A_299 : vector<16xf32> to vector<16xi32>
        %shift_right_arithmetic3A = arith.constant 19 : i32
        %shift_right_arithmetic3A_300 = vector.broadcast %shift_right_arithmetic3A : i32 to vector<16xi32>
        %shift_right_arithmetic3A_301 = arith.shrsi %bitcast3A, %shift_right_arithmetic3A_300 : vector<16xi32>
        %eq3A_302 = vector.broadcast %add3A_89 : i32 to vector<16xi32>
        %eq3A_303 = arith.cmpi eq, %shift_right_arithmetic3A_301, %eq3A_302 : vector<16xi32>
        %and3A = arith.andi %lt3A_294, %eq3A_303 : vector<16xi1>
        %shift_right_arithmetic3A_304 = arith.constant 7 : i32
        %shift_right_arithmetic3A_305 = vector.broadcast %shift_right_arithmetic3A_304 : i32 to vector<16xi32>
        %shift_right_arithmetic3A_306 = arith.shrsi %bitcast3A, %shift_right_arithmetic3A_305 : vector<16xi32>
        %and3A_307 = arith.constant 4095 : i32
        %and3A_308 = vector.broadcast %and3A_307 : i32 to vector<16xi32>
        %and3A_309 = arith.andi %shift_right_arithmetic3A_306, %and3A_308 : vector<16xi32>
        tpu.vector_store_idx %arg8[%and3A_309], %broadcast_in_dim3A_1 masked %and3A {add = true} : memref<4096xi32, #tpu.memory_space<vmem>>[vector<16xi32>], vector<16xi32>, vector<16xi1>
      }
      %while3A_127 = arith.constant 1 : i32
      scf.for %while3A_289 = %while3A_125 to %while3A_121 step %while3A_127  : i32 {
        %mul3A_290 = arith.constant 16 : i32
        %mul3A_291 = arith.muli %while3A_289, %mul3A_290 : i32
        %add3A_292 = vector.broadcast %mul3A_291 : i32 to vector<16xi32>
        %add3A_293 = arith.addi %add3A_292, %iota3A : vector<16xi32>
        %lt3A = vector.broadcast %select_n3A_114 : i32 to vector<16xi32>
        %lt3A_294 = arith.cmpi slt, %add3A_293, %lt3A : vector<16xi32>
        %get3A_295 = arith.index_cast %mul3A_291 : i32 to index
        %get3A_296 = tpu.vector_load %arg6[%get3A_295] {strides = array<i32>} : memref<32768xi32, #tpu.memory_space<vmem>>, vector<16xi32>,
        %gather3A = tpu.vector_load_idx %arg4[%get3A_296] masked %lt3A_294 : memref<32768xf32, #tpu.memory_space<vmem>>[vector<16xi32>], vector<16xf32>, vector<16xi1>
        %max3A_297 = arith.constant 0.000000e+00 : f32
        %max3A_298 = vector.broadcast %max3A_297 : f32 to vector<16xf32>
        %max3A_299 = arith.maximumf %gather3A, %max3A_298 : vector<16xf32>
        %bitcast3A = vector.bitcast %max3A_299 : vector<16xf32> to vector<16xi32>
        %shift_right_arithmetic3A = arith.constant 19 : i32
        %shift_right_arithmetic3A_300 = vector.broadcast %shift_right_arithmetic3A : i32 to vector<16xi32>
        %shift_right_arithmetic3A_301 = arith.shrsi %bitcast3A, %shift_right_arithmetic3A_300 : vector<16xi32>
        %eq3A_302 = vector.broadcast %add3A_89 : i32 to vector<16xi32>
        %eq3A_303 = arith.cmpi eq, %shift_right_arithmetic3A_301, %eq3A_302 : vector<16xi32>
        %and3A = arith.andi %lt3A_294, %eq3A_303 : vector<16xi1>
        %shift_right_arithmetic3A_304 = arith.constant 7 : i32
        %shift_right_arithmetic3A_305 = vector.broadcast %shift_right_arithmetic3A_304 : i32 to vector<16xi32>
        %shift_right_arithmetic3A_306 = arith.shrsi %bitcast3A, %shift_right_arithmetic3A_305 : vector<16xi32>
        %and3A_307 = arith.constant 4095 : i32
        %and3A_308 = vector.broadcast %and3A_307 : i32 to vector<16xi32>
        %and3A_309 = arith.andi %shift_right_arithmetic3A_306, %and3A_308 : vector<16xi32>
        tpu.vector_store_idx %arg8[%and3A_309], %broadcast_in_dim3A_1 masked %and3A {add = true} : memref<4096xi32, #tpu.memory_space<vmem>>[vector<16xi32>], vector<16xi32>, vector<16xi1>
      }
      %while3A_128 = arith.constant 255 : i32
      %while3A_129 = arith.constant 0 : i32
      %while3A_130:2 = scf.while (%while3A_289 = %while3A_128, %while3A_290 = %while3A_129) : (i32, i32) -> (i32, i32) {
        %lt3A = arith.cmpi slt, %while3A_290, %sub3A_93 : i32
        scf.condition(%lt3A) %while3A_289, %while3A_290 : i32, i32
      } do {
      ^bb0(%while3A_289: i32, %while3A_290: i32):
        %mul3A_291 = arith.constant 16 : i32
        %mul3A_292 = arith.muli %while3A_289, %mul3A_291 : i32
        %get3A_293 = arith.index_cast %mul3A_292 : i32 to index
        %get3A_294 = tpu.vector_load %arg8[%get3A_293] {strides = array<i32>} : memref<4096xi32, #tpu.memory_space<vmem>>, vector<16xi32>,
        %reduce_sum3A_295 = arith.constant true
        %reduce_sum3A_296 = vector.broadcast %reduce_sum3A_295 : i1 to vector<16xi1>
        %reduce_sum3A_297 = tpu.scan <sum>, %get3A_294 masked %reduce_sum3A_296 : vector<16xi32>, vector<16xi1> -> vector<16xi32>
        %reduce_sum3A_298 = vector.extract %reduce_sum3A_297[15] : i32 from vector<16xi32>
        %sub3A_299 = arith.constant 1 : i32
        %sub3A_300 = arith.subi %while3A_289, %sub3A_299 : i32
        %add3A_301 = arith.addi %while3A_290, %reduce_sum3A_298 : i32
        scf.yield %sub3A_300, %add3A_301 : i32, i32
      }
      %add3A_131 = arith.constant 1 : i32
      %add3A_132 = arith.addi %while3A_130#0, %add3A_131 : i32
      %mul3A_133 = arith.constant 16 : i32
      %mul3A_134 = arith.muli %add3A_132, %mul3A_133 : i32
      %get3A_135 = arith.index_cast %mul3A_134 : i32 to index
      %get3A_136 = tpu.vector_load %arg8[%get3A_135] {strides = array<i32>} : memref<4096xi32, #tpu.memory_space<vmem>>, vector<16xi32>,
      %reduce_sum3A_137 = arith.constant true
      %reduce_sum3A_138 = vector.broadcast %reduce_sum3A_137 : i1 to vector<16xi1>
      %reduce_sum3A_139 = tpu.scan <sum>, %get3A_136 masked %reduce_sum3A_138 : vector<16xi32>, vector<16xi1> -> vector<16xi32>
      %reduce_sum3A_140 = vector.extract %reduce_sum3A_139[15] : i32 from vector<16xi32>
      %sub3A_141 = arith.subi %while3A_130#1, %reduce_sum3A_140 : i32
      %rev3A_142 = arith.constant 15 : i32
      %rev3A_143 = vector.broadcast %rev3A_142 : i32 to vector<16xi32>
      %rev3A_144 = tpu.iota {dimensions = array<i32: 0>} : vector<16xi32>
      %rev3A_145 = arith.subi %rev3A_143, %rev3A_144 : vector<16xi32>
      %rev3A_146 = tpu.dynamic_gather %get3A_136[%rev3A_145] in [0] : vector<16xi32>, vector<16xi32> -> vector<16xi32>
      %broadcast_in_dim3A_147 = arith.constant true
      %broadcast_in_dim3A_148 = vector.broadcast %broadcast_in_dim3A_147 : i1 to vector<16xi1>
      %masked_cumsum3A_149 = tpu.scan <sum>, %rev3A_146 masked %broadcast_in_dim3A_148 : vector<16xi32>, vector<16xi1> -> vector<16xi32>
      %sub3A_150 = arith.subi %sub3A_93, %sub3A_141 : i32
      %ge3A_151 = vector.broadcast %sub3A_150 : i32 to vector<16xi32>
      %ge3A_152 = arith.cmpi sge, %masked_cumsum3A_149, %ge3A_151 : vector<16xi32>
      %all_reduce_ffs3A_153 = tpu.all_reduce %ge3A_152 {dim = 0 : i64, kind = #tpu.reduction_kind<find_first_set>} : vector<16xi1> -> vector<16xi32>
      %iota3A_154 = tpu.iota {dimensions = array<i32: 0>} : vector<16xi32>
      %eq3A_155 = arith.cmpi eq, %iota3A_154, %all_reduce_ffs3A_153 : vector<16xi32>
      %jit3A_156 = arith.constant 0 : i32
      %broadcast_in_dim3A_157 = vector.broadcast %jit3A_156 : i32 to vector<16xi32>
      %select_n3A_158 = arith.select %eq3A_155, %iota3A_154, %broadcast_in_dim3A_157 : vector<16xi1>, vector<16xi32>
      %reduce_sum3A_159 = arith.constant true
      %reduce_sum3A_160 = vector.broadcast %reduce_sum3A_159 : i1 to vector<16xi1>
      %reduce_sum3A_161 = tpu.scan <sum>, %select_n3A_158 masked %reduce_sum3A_160 : vector<16xi32>, vector<16xi1> -> vector<16xi32>
      %reduce_sum3A_162 = vector.extract %reduce_sum3A_161[15] : i32 from vector<16xi32>
      %eq3A_163 = vector.broadcast %reduce_sum3A_162 : i32 to vector<16xi32>
      %eq3A_164 = arith.cmpi eq, %iota3A_154, %eq3A_163 : vector<16xi32>
      %jit3A_165 = arith.constant 0 : i32
      %broadcast_in_dim3A_166 = vector.broadcast %jit3A_165 : i32 to vector<16xi32>
      %select_n3A_167 = arith.select %eq3A_164, %masked_cumsum3A_149, %broadcast_in_dim3A_166 : vector<16xi1>, vector<16xi32>
      %reduce_sum3A_168 = arith.constant true
      %reduce_sum3A_169 = vector.broadcast %reduce_sum3A_168 : i1 to vector<16xi1>
      %reduce_sum3A_170 = tpu.scan <sum>, %select_n3A_167 masked %reduce_sum3A_169 : vector<16xi32>, vector<16xi1> -> vector<16xi32>
      %reduce_sum3A_171 = vector.extract %reduce_sum3A_170[15] : i32 from vector<16xi32>
      %eq3A_172 = vector.broadcast %reduce_sum3A_162 : i32 to vector<16xi32>
      %eq3A_173 = arith.cmpi eq, %iota3A_154, %eq3A_172 : vector<16xi32>
      %jit3A_174 = arith.constant 0 : i32
      %broadcast_in_dim3A_175 = vector.broadcast %jit3A_174 : i32 to vector<16xi32>
      %select_n3A_176 = arith.select %eq3A_173, %rev3A_146, %broadcast_in_dim3A_175 : vector<16xi1>, vector<16xi32>
      %reduce_sum3A_177 = arith.constant true
      %reduce_sum3A_178 = vector.broadcast %reduce_sum3A_177 : i1 to vector<16xi1>
      %reduce_sum3A_179 = tpu.scan <sum>, %select_n3A_176 masked %reduce_sum3A_178 : vector<16xi32>, vector<16xi1> -> vector<16xi32>
      %reduce_sum3A_180 = vector.extract %reduce_sum3A_179[15] : i32 from vector<16xi32>
      %mul3A_181 = arith.constant 16 : i32
      %mul3A_182 = arith.muli %add3A_132, %mul3A_181 : i32
      %sub3A_183 = arith.constant 15 : i32
      %sub3A_184 = arith.subi %sub3A_183, %reduce_sum3A_162 : i32
      %add3A_185 = arith.addi %mul3A_182, %sub3A_184 : i32
      %add3A_186 = arith.addi %sub3A_141, %reduce_sum3A_171 : i32
      %sub3A_187 = arith.subi %add3A_186, %reduce_sum3A_180 : i32
      %sub3A_188 = arith.subi %sub3A_93, %sub3A_187 : i32
      %shift_left3A = arith.constant 12 : i32
      %shift_left3A_189 = arith.shli %add3A_89, %shift_left3A : i32
      %or3A = arith.ori %shift_left3A_189, %add3A_185 : i32
      %while3A_190 = arith.constant 0 : i32
      %while3A_191 = arith.constant 0 : i32
      %while3A_192 = arith.subi %shift_right_logical3A_117, %while3A_191 : i32
      %while3A_193 = arith.addi %while3A_191, %while3A_192 : i32
      %while3A_194 = arith.constant 1 : i32
      %while3A_195 = arith.divsi %while3A_192, %while3A_194 : i32
      %while3A_196 = arith.muli %while3A_195, %while3A_194 : i32
      %while3A_197 = arith.addi %while3A_191, %while3A_196 : i32
      %while3A_198 = arith.constant 1 : i32
      scf.for %while3A_289 = %while3A_191 to %while3A_197 step %while3A_198  : i32 {
        %mul3A_290 = arith.constant 16 : i32
        %mul3A_291 = arith.muli %while3A_289, %mul3A_290 : i32
        %add3A_292 = vector.broadcast %mul3A_291 : i32 to vector<16xi32>
        %add3A_293 = arith.addi %add3A_292, %iota3A : vector<16xi32>
        %lt3A = vector.broadcast %select_n3A_114 : i32 to vector<16xi32>
        %lt3A_294 = arith.cmpi slt, %add3A_293, %lt3A : vector<16xi32>
        %get3A_295 = arith.index_cast %mul3A_291 : i32 to index
        %get3A_296 = tpu.vector_load %arg6[%get3A_295] {strides = array<i32>} : memref<32768xi32, #tpu.memory_space<vmem>>, vector<16xi32>,
        %gather3A = tpu.vector_load_idx %arg4[%get3A_296] masked %lt3A_294 : memref<32768xf32, #tpu.memory_space<vmem>>[vector<16xi32>], vector<16xf32>, vector<16xi1>
        %max3A_297 = arith.constant 0.000000e+00 : f32
        %max3A_298 = vector.broadcast %max3A_297 : f32 to vector<16xf32>
        %max3A_299 = arith.maximumf %gather3A, %max3A_298 : vector<16xf32>
        %bitcast3A = vector.bitcast %max3A_299 : vector<16xf32> to vector<16xi32>
        %shift_right_arithmetic3A = arith.constant 7 : i32
        %shift_right_arithmetic3A_300 = vector.broadcast %shift_right_arithmetic3A : i32 to vector<16xi32>
        %shift_right_arithmetic3A_301 = arith.shrsi %bitcast3A, %shift_right_arithmetic3A_300 : vector<16xi32>
        %eq3A_302 = vector.broadcast %or3A : i32 to vector<16xi32>
        %eq3A_303 = arith.cmpi eq, %shift_right_arithmetic3A_301, %eq3A_302 : vector<16xi32>
        %and3A = arith.andi %lt3A_294, %eq3A_303 : vector<16xi1>
        %and3A_304 = arith.constant 127 : i32
        %and3A_305 = vector.broadcast %and3A_304 : i32 to vector<16xi32>
        %and3A_306 = arith.andi %bitcast3A, %and3A_305 : vector<16xi32>
        tpu.vector_store_idx %arg9[%and3A_306], %broadcast_in_dim3A_1 masked %and3A {add = true} : memref<128xi32, #tpu.memory_space<vmem>>[vector<16xi32>], vector<16xi32>, vector<16xi1>
      }
      %while3A_199 = arith.constant 1 : i32
      scf.for %while3A_289 = %while3A_197 to %while3A_193 step %while3A_199  : i32 {
        %mul3A_290 = arith.constant 16 : i32
        %mul3A_291 = arith.muli %while3A_289, %mul3A_290 : i32
        %add3A_292 = vector.broadcast %mul3A_291 : i32 to vector<16xi32>
        %add3A_293 = arith.addi %add3A_292, %iota3A : vector<16xi32>
        %lt3A = vector.broadcast %select_n3A_114 : i32 to vector<16xi32>
        %lt3A_294 = arith.cmpi slt, %add3A_293, %lt3A : vector<16xi32>
        %get3A_295 = arith.index_cast %mul3A_291 : i32 to index
        %get3A_296 = tpu.vector_load %arg6[%get3A_295] {strides = array<i32>} : memref<32768xi32, #tpu.memory_space<vmem>>, vector<16xi32>,
        %gather3A = tpu.vector_load_idx %arg4[%get3A_296] masked %lt3A_294 : memref<32768xf32, #tpu.memory_space<vmem>>[vector<16xi32>], vector<16xf32>, vector<16xi1>
        %max3A_297 = arith.constant 0.000000e+00 : f32
        %max3A_298 = vector.broadcast %max3A_297 : f32 to vector<16xf32>
        %max3A_299 = arith.maximumf %gather3A, %max3A_298 : vector<16xf32>
        %bitcast3A = vector.bitcast %max3A_299 : vector<16xf32> to vector<16xi32>
        %shift_right_arithmetic3A = arith.constant 7 : i32
        %shift_right_arithmetic3A_300 = vector.broadcast %shift_right_arithmetic3A : i32 to vector<16xi32>
        %shift_right_arithmetic3A_301 = arith.shrsi %bitcast3A, %shift_right_arithmetic3A_300 : vector<16xi32>
        %eq3A_302 = vector.broadcast %or3A : i32 to vector<16xi32>
        %eq3A_303 = arith.cmpi eq, %shift_right_arithmetic3A_301, %eq3A_302 : vector<16xi32>
        %and3A = arith.andi %lt3A_294, %eq3A_303 : vector<16xi1>
        %and3A_304 = arith.constant 127 : i32
        %and3A_305 = vector.broadcast %and3A_304 : i32 to vector<16xi32>
        %and3A_306 = arith.andi %bitcast3A, %and3A_305 : vector<16xi32>
        tpu.vector_store_idx %arg9[%and3A_306], %broadcast_in_dim3A_1 masked %and3A {add = true} : memref<128xi32, #tpu.memory_space<vmem>>[vector<16xi32>], vector<16xi32>, vector<16xi1>
      }
      %while3A_200 = arith.constant 7 : i32
      %while3A_201 = arith.constant 0 : i32
      %while3A_202:2 = scf.while (%while3A_289 = %while3A_200, %while3A_290 = %while3A_201) : (i32, i32) -> (i32, i32) {
        %lt3A = arith.cmpi slt, %while3A_290, %sub3A_188 : i32
        scf.condition(%lt3A) %while3A_289, %while3A_290 : i32, i32
      } do {
      ^bb0(%while3A_289: i32, %while3A_290: i32):
        %mul3A_291 = arith.constant 16 : i32
        %mul3A_292 = arith.muli %while3A_289, %mul3A_291 : i32
        %get3A_293 = arith.index_cast %mul3A_292 : i32 to index
        %get3A_294 = tpu.vector_load %arg9[%get3A_293] {strides = array<i32>} : memref<128xi32, #tpu.memory_space<vmem>>, vector<16xi32>,
        %reduce_sum3A_295 = arith.constant true
        %reduce_sum3A_296 = vector.broadcast %reduce_sum3A_295 : i1 to vector<16xi1>
        %reduce_sum3A_297 = tpu.scan <sum>, %get3A_294 masked %reduce_sum3A_296 : vector<16xi32>, vector<16xi1> -> vector<16xi32>
        %reduce_sum3A_298 = vector.extract %reduce_sum3A_297[15] : i32 from vector<16xi32>
        %sub3A_299 = arith.constant 1 : i32
        %sub3A_300 = arith.subi %while3A_289, %sub3A_299 : i32
        %add3A_301 = arith.addi %while3A_290, %reduce_sum3A_298 : i32
        scf.yield %sub3A_300, %add3A_301 : i32, i32
      }
      %add3A_203 = arith.constant 1 : i32
      %add3A_204 = arith.addi %while3A_202#0, %add3A_203 : i32
      %mul3A_205 = arith.constant 16 : i32
      %mul3A_206 = arith.muli %add3A_204, %mul3A_205 : i32
      %get3A_207 = arith.index_cast %mul3A_206 : i32 to index
      %get3A_208 = tpu.vector_load %arg9[%get3A_207] {strides = array<i32>} : memref<128xi32, #tpu.memory_space<vmem>>, vector<16xi32>,
      %reduce_sum3A_209 = arith.constant true
      %reduce_sum3A_210 = vector.broadcast %reduce_sum3A_209 : i1 to vector<16xi1>
      %reduce_sum3A_211 = tpu.scan <sum>, %get3A_208 masked %reduce_sum3A_210 : vector<16xi32>, vector<16xi1> -> vector<16xi32>
      %reduce_sum3A_212 = vector.extract %reduce_sum3A_211[15] : i32 from vector<16xi32>
      %sub3A_213 = arith.subi %while3A_202#1, %reduce_sum3A_212 : i32
      %rev3A_214 = arith.constant 15 : i32
      %rev3A_215 = vector.broadcast %rev3A_214 : i32 to vector<16xi32>
      %rev3A_216 = tpu.iota {dimensions = array<i32: 0>} : vector<16xi32>
      %rev3A_217 = arith.subi %rev3A_215, %rev3A_216 : vector<16xi32>
      %rev3A_218 = tpu.dynamic_gather %get3A_208[%rev3A_217] in [0] : vector<16xi32>, vector<16xi32> -> vector<16xi32>
      %broadcast_in_dim3A_219 = arith.constant true
      %broadcast_in_dim3A_220 = vector.broadcast %broadcast_in_dim3A_219 : i1 to vector<16xi1>
      %masked_cumsum3A_221 = tpu.scan <sum>, %rev3A_218 masked %broadcast_in_dim3A_220 : vector<16xi32>, vector<16xi1> -> vector<16xi32>
      %sub3A_222 = arith.subi %sub3A_188, %sub3A_213 : i32
      %ge3A_223 = vector.broadcast %sub3A_222 : i32 to vector<16xi32>
      %ge3A_224 = arith.cmpi sge, %masked_cumsum3A_221, %ge3A_223 : vector<16xi32>
      %all_reduce_ffs3A_225 = tpu.all_reduce %ge3A_224 {dim = 0 : i64, kind = #tpu.reduction_kind<find_first_set>} : vector<16xi1> -> vector<16xi32>
      %iota3A_226 = tpu.iota {dimensions = array<i32: 0>} : vector<16xi32>
      %eq3A_227 = arith.cmpi eq, %iota3A_226, %all_reduce_ffs3A_225 : vector<16xi32>
      %jit3A_228 = arith.constant 0 : i32
      %broadcast_in_dim3A_229 = vector.broadcast %jit3A_228 : i32 to vector<16xi32>
      %select_n3A_230 = arith.select %eq3A_227, %iota3A_226, %broadcast_in_dim3A_229 : vector<16xi1>, vector<16xi32>
      %reduce_sum3A_231 = arith.constant true
      %reduce_sum3A_232 = vector.broadcast %reduce_sum3A_231 : i1 to vector<16xi1>
      %reduce_sum3A_233 = tpu.scan <sum>, %select_n3A_230 masked %reduce_sum3A_232 : vector<16xi32>, vector<16xi1> -> vector<16xi32>
      %reduce_sum3A_234 = vector.extract %reduce_sum3A_233[15] : i32 from vector<16xi32>
      %eq3A_235 = vector.broadcast %reduce_sum3A_234 : i32 to vector<16xi32>
      %eq3A_236 = arith.cmpi eq, %iota3A_226, %eq3A_235 : vector<16xi32>
      %jit3A_237 = arith.constant 0 : i32
      %broadcast_in_dim3A_238 = vector.broadcast %jit3A_237 : i32 to vector<16xi32>
      %select_n3A_239 = arith.select %eq3A_236, %masked_cumsum3A_221, %broadcast_in_dim3A_238 : vector<16xi1>, vector<16xi32>
      %reduce_sum3A_240 = arith.constant true
      %reduce_sum3A_241 = vector.broadcast %reduce_sum3A_240 : i1 to vector<16xi1>
      %reduce_sum3A_242 = tpu.scan <sum>, %select_n3A_239 masked %reduce_sum3A_241 : vector<16xi32>, vector<16xi1> -> vector<16xi32>
      %reduce_sum3A_243 = vector.extract %reduce_sum3A_242[15] : i32 from vector<16xi32>
      %eq3A_244 = vector.broadcast %reduce_sum3A_234 : i32 to vector<16xi32>
      %eq3A_245 = arith.cmpi eq, %iota3A_226, %eq3A_244 : vector<16xi32>
      %jit3A_246 = arith.constant 0 : i32
      %broadcast_in_dim3A_247 = vector.broadcast %jit3A_246 : i32 to vector<16xi32>
      %select_n3A_248 = arith.select %eq3A_245, %rev3A_218, %broadcast_in_dim3A_247 : vector<16xi1>, vector<16xi32>
      %reduce_sum3A_249 = arith.constant true
      %reduce_sum3A_250 = vector.broadcast %reduce_sum3A_249 : i1 to vector<16xi1>
      %reduce_sum3A_251 = tpu.scan <sum>, %select_n3A_248 masked %reduce_sum3A_250 : vector<16xi32>, vector<16xi1> -> vector<16xi32>
      %reduce_sum3A_252 = vector.extract %reduce_sum3A_251[15] : i32 from vector<16xi32>
      %mul3A_253 = arith.constant 16 : i32
      %mul3A_254 = arith.muli %add3A_204, %mul3A_253 : i32
      %sub3A_255 = arith.constant 15 : i32
      %sub3A_256 = arith.subi %sub3A_255, %reduce_sum3A_234 : i32
      %add3A_257 = arith.addi %mul3A_254, %sub3A_256 : i32
      %add3A_258 = arith.addi %sub3A_213, %reduce_sum3A_243 : i32
      %sub3A_259 = arith.subi %add3A_258, %reduce_sum3A_252 : i32
      %sub3A_260 = arith.subi %sub3A_188, %sub3A_259 : i32
      %shift_left3A_261 = arith.constant 7 : i32
      %shift_left3A_262 = arith.shli %or3A, %shift_left3A_261 : i32
      %or3A_263 = arith.ori %shift_left3A_262, %add3A_257 : i32
      %while3A_264 = arith.constant 0 : i32
      %while3A_265 = arith.constant 0 : i32
      %while3A_266 = arith.subi %shift_right_logical3A_117, %while3A_264 : i32
      %while3A_267 = arith.addi %while3A_264, %while3A_266 : i32
      %while3A_268 = arith.constant 1 : i32
      %while3A_269 = arith.divsi %while3A_266, %while3A_268 : i32
      %while3A_270 = arith.muli %while3A_269, %while3A_268 : i32
      %while3A_271 = arith.addi %while3A_264, %while3A_270 : i32
      %while3A_272 = arith.constant 1 : i32
      %while3A_273 = scf.for %while3A_289 = %while3A_264 to %while3A_271 step %while3A_272 iter_args(%while3A_290 = %while3A_265) -> (i32)  : i32 {
        %mul3A_291 = arith.constant 16 : i32
        %mul3A_292 = arith.muli %while3A_289, %mul3A_291 : i32
        %add3A_293 = vector.broadcast %mul3A_292 : i32 to vector<16xi32>
        %add3A_294 = arith.addi %add3A_293, %iota3A : vector<16xi32>
        %lt3A = vector.broadcast %select_n3A_114 : i32 to vector<16xi32>
        %lt3A_295 = arith.cmpi slt, %add3A_294, %lt3A : vector<16xi32>
        %get3A_296 = arith.index_cast %mul3A_292 : i32 to index
        %get3A_297 = tpu.vector_load %arg6[%get3A_296] {strides = array<i32>} : memref<32768xi32, #tpu.memory_space<vmem>>, vector<16xi32>,
        %gather3A = tpu.vector_load_idx %arg4[%get3A_297] masked %lt3A_295 : memref<32768xf32, #tpu.memory_space<vmem>>[vector<16xi32>], vector<16xf32>, vector<16xi1>
        %max3A_298 = arith.constant 0.000000e+00 : f32
        %max3A_299 = vector.broadcast %max3A_298 : f32 to vector<16xf32>
        %max3A_300 = arith.maximumf %gather3A, %max3A_299 : vector<16xf32>
        %bitcast3A = vector.bitcast %max3A_300 : vector<16xf32> to vector<16xi32>
        %eq3A_301 = vector.broadcast %or3A_263 : i32 to vector<16xi32>
        %eq3A_302 = arith.cmpi eq, %bitcast3A, %eq3A_301 : vector<16xi32>
        %and3A = arith.andi %lt3A_295, %eq3A_302 : vector<16xi1>
        %convert_element_type3A = arith.extui %and3A : vector<16xi1> to vector<16xi32>
        %broadcast_in_dim3A_303 = arith.constant true
        %broadcast_in_dim3A_304 = vector.broadcast %broadcast_in_dim3A_303 : i1 to vector<16xi1>
        %masked_cumsum3A_305 = tpu.scan <sum>, %convert_element_type3A masked %broadcast_in_dim3A_304 : vector<16xi32>, vector<16xi1> -> vector<16xi32>
        %add3A_306 = vector.broadcast %while3A_290 : i32 to vector<16xi32>
        %add3A_307 = arith.addi %add3A_306, %masked_cumsum3A_305 : vector<16xi32>
        %sub3A_308 = arith.subi %add3A_307, %convert_element_type3A : vector<16xi32>
        %gt3A = vector.broadcast %or3A_263 : i32 to vector<16xi32>
        %gt3A_309 = arith.cmpi sgt, %bitcast3A, %gt3A : vector<16xi32>
        %lt3A_310 = vector.broadcast %sub3A_260 : i32 to vector<16xi32>
        %lt3A_311 = arith.cmpi slt, %sub3A_308, %lt3A_310 : vector<16xi32>
        %and3A_312 = arith.andi %and3A, %lt3A_311 : vector<16xi1>
        %or3A_313 = arith.ori %gt3A_309, %and3A_312 : vector<16xi1>
        %and3A_314 = arith.andi %lt3A_295, %or3A_313 : vector<16xi1>
        tpu.vector_store_idx %arg5[%get3A_297], %max3A_300 masked %and3A_314 : memref<32768xf32, #tpu.memory_space<vmem>>[vector<16xi32>], vector<16xf32>, vector<16xi1>
        %reduce_sum3A_315 = arith.constant true
        %reduce_sum3A_316 = vector.broadcast %reduce_sum3A_315 : i1 to vector<16xi1>
        %reduce_sum3A_317 = tpu.scan <sum>, %convert_element_type3A masked %reduce_sum3A_316 : vector<16xi32>, vector<16xi1> -> vector<16xi32>
        %reduce_sum3A_318 = vector.extract %reduce_sum3A_317[15] : i32 from vector<16xi32>
        %add3A_319 = arith.addi %while3A_290, %reduce_sum3A_318 : i32
        scf.yield %add3A_319 : i32
      }
      %while3A_274 = arith.constant 1 : i32
      %while3A_275 = scf.for %while3A_289 = %while3A_271 to %while3A_267 step %while3A_274 iter_args(%while3A_290 = %while3A_273) -> (i32)  : i32 {
        %mul3A_291 = arith.constant 16 : i32
        %mul3A_292 = arith.muli %while3A_289, %mul3A_291 : i32
        %add3A_293 = vector.broadcast %mul3A_292 : i32 to vector<16xi32>
        %add3A_294 = arith.addi %add3A_293, %iota3A : vector<16xi32>
        %lt3A = vector.broadcast %select_n3A_114 : i32 to vector<16xi32>
        %lt3A_295 = arith.cmpi slt, %add3A_294, %lt3A : vector<16xi32>
        %get3A_296 = arith.index_cast %mul3A_292 : i32 to index
        %get3A_297 = tpu.vector_load %arg6[%get3A_296] {strides = array<i32>} : memref<32768xi32, #tpu.memory_space<vmem>>, vector<16xi32>,
        %gather3A = tpu.vector_load_idx %arg4[%get3A_297] masked %lt3A_295 : memref<32768xf32, #tpu.memory_space<vmem>>[vector<16xi32>], vector<16xf32>, vector<16xi1>
        %max3A_298 = arith.constant 0.000000e+00 : f32
        %max3A_299 = vector.broadcast %max3A_298 : f32 to vector<16xf32>
        %max3A_300 = arith.maximumf %gather3A, %max3A_299 : vector<16xf32>
        %bitcast3A = vector.bitcast %max3A_300 : vector<16xf32> to vector<16xi32>
        %eq3A_301 = vector.broadcast %or3A_263 : i32 to vector<16xi32>
        %eq3A_302 = arith.cmpi eq, %bitcast3A, %eq3A_301 : vector<16xi32>
        %and3A = arith.andi %lt3A_295, %eq3A_302 : vector<16xi1>
        %convert_element_type3A = arith.extui %and3A : vector<16xi1> to vector<16xi32>
        %broadcast_in_dim3A_303 = arith.constant true
        %broadcast_in_dim3A_304 = vector.broadcast %broadcast_in_dim3A_303 : i1 to vector<16xi1>
        %masked_cumsum3A_305 = tpu.scan <sum>, %convert_element_type3A masked %broadcast_in_dim3A_304 : vector<16xi32>, vector<16xi1> -> vector<16xi32>
        %add3A_306 = vector.broadcast %while3A_290 : i32 to vector<16xi32>
        %add3A_307 = arith.addi %add3A_306, %masked_cumsum3A_305 : vector<16xi32>
        %sub3A_308 = arith.subi %add3A_307, %convert_element_type3A : vector<16xi32>
        %gt3A = vector.broadcast %or3A_263 : i32 to vector<16xi32>
        %gt3A_309 = arith.cmpi sgt, %bitcast3A, %gt3A : vector<16xi32>
        %lt3A_310 = vector.broadcast %sub3A_260 : i32 to vector<16xi32>
        %lt3A_311 = arith.cmpi slt, %sub3A_308, %lt3A_310 : vector<16xi32>
        %and3A_312 = arith.andi %and3A, %lt3A_311 : vector<16xi1>
        %or3A_313 = arith.ori %gt3A_309, %and3A_312 : vector<16xi1>
        %and3A_314 = arith.andi %lt3A_295, %or3A_313 : vector<16xi1>
        tpu.vector_store_idx %arg5[%get3A_297], %max3A_300 masked %and3A_314 : memref<32768xf32, #tpu.memory_space<vmem>>[vector<16xi32>], vector<16xf32>, vector<16xi1>
        %reduce_sum3A_315 = arith.constant true
        %reduce_sum3A_316 = vector.broadcast %reduce_sum3A_315 : i1 to vector<16xi1>
        %reduce_sum3A_317 = tpu.scan <sum>, %convert_element_type3A masked %reduce_sum3A_316 : vector<16xi32>, vector<16xi1> -> vector<16xi32>
        %reduce_sum3A_318 = vector.extract %reduce_sum3A_317[15] : i32 from vector<16xi32>
        %add3A_319 = arith.addi %while3A_290, %reduce_sum3A_318 : i32
        scf.yield %add3A_319 : i32
      }
      "tpu.region"() ({
        %run_scoped3A = tpu.sem_alloc : memref<!tpu.dma_semaphore, #tpu.memory_space<semaphore_mem>>
        %dma_start3A = arith.constant 0 : i32
        %dma_start3A_289 = tpu.memref_slice %arg3[%add3A_33, %dma_start3A] : memref<128x32768xf32, #tpu.memory_space<hbm>> -> memref<1x32768xf32, #tpu.memory_space<hbm>>
        %dma_start3A_290 = tpu.memref_squeeze %dma_start3A_289 : memref<1x32768xf32, #tpu.memory_space<hbm>> -> memref<32768xf32, #tpu.memory_space<hbm>>
        %dma_start3A_291 = arith.constant 0 : i32
        %dma_start3A_292 = tpu.memref_slice %arg3[%add3A_33, %dma_start3A_291] : memref<128x32768xf32, #tpu.memory_space<hbm>> -> memref<1x32768xf32, #tpu.memory_space<hbm>>
        %dma_start3A_293 = tpu.memref_squeeze %dma_start3A_292 : memref<1x32768xf32, #tpu.memory_space<hbm>> -> memref<32768xf32, #tpu.memory_space<hbm>>
        tpu.enqueue_dma source(%arg5 : memref<32768xf32, #tpu.memory_space<vmem>>) target(%dma_start3A_293 : memref<32768xf32, #tpu.memory_space<hbm>>) target_semaphore(%run_scoped3A : memref<!tpu.dma_semaphore, #tpu.memory_space<semaphore_mem>>)
        %dma_wait3A = arith.constant 0 : i32
        %dma_wait3A_294 = tpu.memref_slice %arg3[%add3A_33, %dma_wait3A] : memref<128x32768xf32, #tpu.memory_space<hbm>> -> memref<1x32768xf32, #tpu.memory_space<hbm>>
        %dma_wait3A_295 = tpu.memref_squeeze %dma_wait3A_294 : memref<1x32768xf32, #tpu.memory_space<hbm>> -> memref<32768xf32, #tpu.memory_space<hbm>>
        %dma_wait3A_296 = arith.constant 0 : i32
        %dma_wait3A_297 = tpu.memref_slice %arg3[%add3A_33, %dma_wait3A_296] : memref<128x32768xf32, #tpu.memory_space<hbm>> -> memref<1x32768xf32, #tpu.memory_space<hbm>>
        %dma_wait3A_298 = tpu.memref_squeeze %dma_wait3A_297 : memref<1x32768xf32, #tpu.memory_space<hbm>> -> memref<32768xf32, #tpu.memory_space<hbm>>
        tpu.wait_dma2 semaphore(%run_scoped3A : memref<!tpu.dma_semaphore, #tpu.memory_space<semaphore_mem>>) src(%arg5 : memref<32768xf32, #tpu.memory_space<vmem>>) dst(%dma_wait3A_298 : memref<32768xf32, #tpu.memory_space<hbm>>)
        tpu.yield
      }) : () -> ()
      %while3A_276 = arith.constant 0 : i32
      %while3A_277 = arith.constant 0 : i32
      %while3A_278 = arith.subi %shift_right_logical3A_117, %while3A_277 : i32
      %while3A_279 = arith.addi %while3A_277, %while3A_278 : i32
      %while3A_280 = arith.constant 1 : i32
      %while3A_281 = arith.divsi %while3A_278, %while3A_280 : i32
      %while3A_282 = arith.muli %while3A_281, %while3A_280 : i32
      %while3A_283 = arith.addi %while3A_277, %while3A_282 : i32
      %while3A_284 = arith.constant 1 : i32
      scf.for %while3A_289 = %while3A_277 to %while3A_283 step %while3A_284  : i32 {
        %mul3A_290 = arith.constant 16 : i32
        %mul3A_291 = arith.muli %while3A_289, %mul3A_290 : i32
        %add3A_292 = vector.broadcast %mul3A_291 : i32 to vector<16xi32>
        %add3A_293 = arith.addi %add3A_292, %iota3A : vector<16xi32>
        %lt3A = vector.broadcast %select_n3A_114 : i32 to vector<16xi32>
        %lt3A_294 = arith.cmpi slt, %add3A_293, %lt3A : vector<16xi32>
        %get3A_295 = arith.index_cast %mul3A_291 : i32 to index
        %get3A_296 = tpu.vector_load %arg6[%get3A_295] {strides = array<i32>} : memref<32768xi32, #tpu.memory_space<vmem>>, vector<16xi32>,
        %gather3A = tpu.vector_load_idx %arg4[%get3A_296] masked %lt3A_294 : memref<32768xf32, #tpu.memory_space<vmem>>[vector<16xi32>], vector<16xf32>, vector<16xi1>
        %max3A_297 = arith.constant 0.000000e+00 : f32
        %max3A_298 = vector.broadcast %max3A_297 : f32 to vector<16xf32>
        %max3A_299 = arith.maximumf %gather3A, %max3A_298 : vector<16xf32>
        %bitcast3A = vector.bitcast %max3A_299 : vector<16xf32> to vector<16xi32>
        tpu.vector_store_idx %arg5[%get3A_296], %broadcast_in_dim3A_5 masked %lt3A_294 : memref<32768xf32, #tpu.memory_space<vmem>>[vector<16xi32>], vector<16xf32>, vector<16xi1>
        %shift_right_arithmetic3A = arith.constant 19 : i32
        %shift_right_arithmetic3A_300 = vector.broadcast %shift_right_arithmetic3A : i32 to vector<16xi32>
        %shift_right_arithmetic3A_301 = arith.shrsi %bitcast3A, %shift_right_arithmetic3A_300 : vector<16xi32>
        %eq3A_302 = vector.broadcast %add3A_89 : i32 to vector<16xi32>
        %eq3A_303 = arith.cmpi eq, %shift_right_arithmetic3A_301, %eq3A_302 : vector<16xi32>
        %and3A = arith.andi %lt3A_294, %eq3A_303 : vector<16xi1>
        %shift_right_arithmetic3A_304 = arith.constant 7 : i32
        %shift_right_arithmetic3A_305 = vector.broadcast %shift_right_arithmetic3A_304 : i32 to vector<16xi32>
        %shift_right_arithmetic3A_306 = arith.shrsi %bitcast3A, %shift_right_arithmetic3A_305 : vector<16xi32>
        %and3A_307 = arith.constant 4095 : i32
        %and3A_308 = vector.broadcast %and3A_307 : i32 to vector<16xi32>
        %and3A_309 = arith.andi %shift_right_arithmetic3A_306, %and3A_308 : vector<16xi32>
        tpu.vector_store_idx %arg8[%and3A_309], %broadcast_in_dim3A_3 masked %and3A : memref<4096xi32, #tpu.memory_space<vmem>>[vector<16xi32>], vector<16xi32>, vector<16xi1>
        %shift_right_arithmetic3A_310 = arith.constant 7 : i32
        %shift_right_arithmetic3A_311 = vector.broadcast %shift_right_arithmetic3A_310 : i32 to vector<16xi32>
        %shift_right_arithmetic3A_312 = arith.shrsi %bitcast3A, %shift_right_arithmetic3A_311 : vector<16xi32>
        %eq3A_313 = vector.broadcast %or3A : i32 to vector<16xi32>
        %eq3A_314 = arith.cmpi eq, %shift_right_arithmetic3A_312, %eq3A_313 : vector<16xi32>
        %and3A_315 = arith.andi %lt3A_294, %eq3A_314 : vector<16xi1>
        %and3A_316 = arith.constant 127 : i32
        %and3A_317 = vector.broadcast %and3A_316 : i32 to vector<16xi32>
        %and3A_318 = arith.andi %bitcast3A, %and3A_317 : vector<16xi32>
        tpu.vector_store_idx %arg9[%and3A_318], %broadcast_in_dim3A_3 masked %and3A_315 : memref<128xi32, #tpu.memory_space<vmem>>[vector<16xi32>], vector<16xi32>, vector<16xi1>
      }
      %while3A_285 = arith.constant 1 : i32
      scf.for %while3A_289 = %while3A_283 to %while3A_279 step %while3A_285  : i32 {
        %mul3A_290 = arith.constant 16 : i32
        %mul3A_291 = arith.muli %while3A_289, %mul3A_290 : i32
        %add3A_292 = vector.broadcast %mul3A_291 : i32 to vector<16xi32>
        %add3A_293 = arith.addi %add3A_292, %iota3A : vector<16xi32>
        %lt3A = vector.broadcast %select_n3A_114 : i32 to vector<16xi32>
        %lt3A_294 = arith.cmpi slt, %add3A_293, %lt3A : vector<16xi32>
        %get3A_295 = arith.index_cast %mul3A_291 : i32 to index
        %get3A_296 = tpu.vector_load %arg6[%get3A_295] {strides = array<i32>} : memref<32768xi32, #tpu.memory_space<vmem>>, vector<16xi32>,
        %gather3A = tpu.vector_load_idx %arg4[%get3A_296] masked %lt3A_294 : memref<32768xf32, #tpu.memory_space<vmem>>[vector<16xi32>], vector<16xf32>, vector<16xi1>
        %max3A_297 = arith.constant 0.000000e+00 : f32
        %max3A_298 = vector.broadcast %max3A_297 : f32 to vector<16xf32>
        %max3A_299 = arith.maximumf %gather3A, %max3A_298 : vector<16xf32>
        %bitcast3A = vector.bitcast %max3A_299 : vector<16xf32> to vector<16xi32>
        tpu.vector_store_idx %arg5[%get3A_296], %broadcast_in_dim3A_5 masked %lt3A_294 : memref<32768xf32, #tpu.memory_space<vmem>>[vector<16xi32>], vector<16xf32>, vector<16xi1>
        %shift_right_arithmetic3A = arith.constant 19 : i32
        %shift_right_arithmetic3A_300 = vector.broadcast %shift_right_arithmetic3A : i32 to vector<16xi32>
        %shift_right_arithmetic3A_301 = arith.shrsi %bitcast3A, %shift_right_arithmetic3A_300 : vector<16xi32>
        %eq3A_302 = vector.broadcast %add3A_89 : i32 to vector<16xi32>
        %eq3A_303 = arith.cmpi eq, %shift_right_arithmetic3A_301, %eq3A_302 : vector<16xi32>
        %and3A = arith.andi %lt3A_294, %eq3A_303 : vector<16xi1>
        %shift_right_arithmetic3A_304 = arith.constant 7 : i32
        %shift_right_arithmetic3A_305 = vector.broadcast %shift_right_arithmetic3A_304 : i32 to vector<16xi32>
        %shift_right_arithmetic3A_306 = arith.shrsi %bitcast3A, %shift_right_arithmetic3A_305 : vector<16xi32>
        %and3A_307 = arith.constant 4095 : i32
        %and3A_308 = vector.broadcast %and3A_307 : i32 to vector<16xi32>
        %and3A_309 = arith.andi %shift_right_arithmetic3A_306, %and3A_308 : vector<16xi32>
        tpu.vector_store_idx %arg8[%and3A_309], %broadcast_in_dim3A_3 masked %and3A : memref<4096xi32, #tpu.memory_space<vmem>>[vector<16xi32>], vector<16xi32>, vector<16xi1>
        %shift_right_arithmetic3A_310 = arith.constant 7 : i32
        %shift_right_arithmetic3A_311 = vector.broadcast %shift_right_arithmetic3A_310 : i32 to vector<16xi32>
        %shift_right_arithmetic3A_312 = arith.shrsi %bitcast3A, %shift_right_arithmetic3A_311 : vector<16xi32>
        %eq3A_313 = vector.broadcast %or3A : i32 to vector<16xi32>
        %eq3A_314 = arith.cmpi eq, %shift_right_arithmetic3A_312, %eq3A_313 : vector<16xi32>
        %and3A_315 = arith.andi %lt3A_294, %eq3A_314 : vector<16xi1>
        %and3A_316 = arith.constant 127 : i32
        %and3A_317 = vector.broadcast %and3A_316 : i32 to vector<16xi32>
        %and3A_318 = arith.andi %bitcast3A, %and3A_317 : vector<16xi32>
        tpu.vector_store_idx %arg9[%and3A_318], %broadcast_in_dim3A_3 masked %and3A_315 : memref<128xi32, #tpu.memory_space<vmem>>[vector<16xi32>], vector<16xi32>, vector<16xi1>
      }
      %sub3A_286 = arith.constant 1 : i32
      %sub3A_287 = arith.subi %add3A_89, %sub3A_286 : i32
      %max3A = arith.constant 0 : i32
      %max3A_288 = arith.maxsi %sub3A_287, %max3A : i32
      scf.yield %max3A_288 : i32
    }
    %scan3A_28 = arith.constant 4 : i32
    return
  }
}

</mosaic_0001>

<sc_bundles>
// kernel: kernel.3.cloned.1.call-start
scs
__scs_entry_jumppad:
0x0: {  	(pc) =	sbr.rel $0x88, $3  }
0x1: {  	(tag) =	ssettag $0x0;
	lr =	simm.s32 $0x1  }
0x2: {  	[smem:$0x3FA0] =	sst lr;
	_ =	strace $0xD0000000  }
0x3: {  	_ = 	snop  }
0x4: {  	_ = 	snop  }
0x5: {  	_ = 	snop  }
0x6: {  	_ = 	snop  }
0x7: {  	_ = 	snop  }
__scs_overlays_trampoline_lowered:
0x8: {  	[smem:$0x3FAF] =	sst s0  }
0x9: {  	[smem:$0x3FB0] =	sst s1  }
0xa: {  	[smem:$0x3FB1] =	sst s2  }
0xb: {  	[smem:$0x3FB2] =	sst s3  }
0xc: {  	[smem:$0x3FB3] =	sst s4  }
0xd: {  	[smem:$0x3FB4] =	sst s5  }
0xe: {  	[smem:$0x3FB5] =	sst s6  }
0xf: {  	[smem:$0x3FB6] =	sst s7  }
0x10: {  	[smem:$0x3FB7] =	sst s8  }
0x11: {  	[smem:$0x3FB8] =	sst s9;
	s0 =	simm.s32 @!p0 $0x0  }
0x12: {  	s1 =	sld [smem:$0x3F9E];
	s0 =	simm.s32 @p0 $0x1  }
0x13: {  	[smem:$0x3FB9] =	sst s0;
	s0 =	simm.s32 @!p1 $0x0  }
0x14: {  	s2 =	sld [smem:$0x3F9D];
	s0 =	simm.s32 @p1 $0x1  }
0x15: {  	[smem:$0x3FBA] =	sst s0;
	s0 =	simm.s32 @!p2 $0x0  }
0x16: {  	s3 =	sld [smem:$0x3FDB];
	s0 =	simm.s32 @p2 $0x1  }
0x17: {  	s4 =	simm.s32 $0x1BF5;
	[smem:$0x3FBC] =	sst s0  }
0x18: {  	s0 =	sld [smem:$0x3F9F];
	_ =	swait.ge [sflag:s4], $0x0  }
0x19: {  	s7 =	sld [smem:$0x3FA0]  }
0x1a: {  	s8 =	sadd.s32 $0xFFFFE003, lr  }
0x1b: {  	s9 =	sadd.s32 $0xFFFFFEF7, lr;
	s5 =	simm.s32 $0xFFFFFFFF;
	p2 =	slt.u32 s8, $0xFFFFF086  }
0x1c: {  	p1 =	slt.u32 s9, $0xF7A;
	s5 =	simm.s32 @!p2 $0x0  }
0x1d: {  	s5 =	simm.s32 @p1 $0x1;
	p0 =	seq.s32 s7, s2  }
0x1e: {  	s7 =	smul.u32 @!p0 $0xF7A, s2;
	p2 =	seq.s32 @!p0 s5, $0x0  }
0x1f: {  	s9 =	smul.u32 $0xF7A, s1;
	s8 =	simm.s32 @!p0 $0x1BF5;
	p2 =	por !p2, p0  }
0x20: {  	[sflag:s8] =	ssyncset.s32 @!p0 $0xFFFFF086;
	s6 =	sadd.s32 @!p0 s3, s7;
	s7 =	simm.s32 @!p0 $0x108  }
0x21: {  	s3 =	sadd.s32 s3, s9;
	s6 =	sadd.s32 @!p0 $0x88, s6;
	s7 =	simm.s32 @p2 $0x1082  }
0x22: {  	[simem:s7], [sflag:s8] =	dma.local @!p0 [hbm:s6], $0xF7A  }
0x23: {  	s9 =	sor.u32 $0xD0000000, s2;
	s6 =	simm.s32 $0x108;
	_ =	swait.ge @!p0 [sflag:s8], $0x0  }
0x24: {  	s3 =	sadd.s32 $0x88, s3;
	s6 =	simm.s32 @!p1 $0x1082;
	[sflag:s4] =	ssyncset.s32 $0xFFFFF086  }
0x25: {  	[simem:s6], [sflag:s4] =	dma.local [hbm:s3], $0xF7A  }
0x26: {  	[smem:$0x3FA0] =	sst s1;
	(tag) =	ssettag s2;
	_ =	strace s9  }
0x27: {  	s1 =	sld [smem:$0x3FB0]  }
0x28: {  	s2 =	sld [smem:$0x3FB1]  }
0x29: {  	s4 =	sld [smem:$0x3FB3]  }
0x2a: {  	p0 =	seq.s32 s5, $0x0;
	s5 =	sld [smem:$0x3FB4]  }
0x2b: {  	s6 =	sld [smem:$0x3FB5]  }
0x2c: {  	s7 =	sld [smem:$0x3FB6]  }
0x2d: {  	s3 =	simm.s32 $0x108;
	s8 =	sld [smem:$0x3FB7]  }
0x2e: {  	s3 =	simm.s32 @!p0 $0x1082;
	s9 =	sld [smem:$0x3FB8]  }
0x2f: {  	lr =	sadd.s32 s0, s3;
	s0 =	sld [smem:$0x3FAF]  }
0x30: {  	s3 =	sld [smem:$0x3FB2]  }
0x31: {  	[smem:$0x3FBB] =	sst s10  }
0x32: {  	s10 =	sld [smem:$0x3FB9];
	_ =	sdelay $0x3  }
0x33: {  	p0 =	seq.s32 s10, $0x1;
	s10 =	sld [smem:$0x3FBB];
	_ =	sdelay $0x3  }
0x34: {  	[smem:$0x3FBB] =	sst s10  }
0x35: {  	s10 =	sld [smem:$0x3FBA];
	_ =	sdelay $0x3  }
0x36: {  	p1 =	seq.s32 s10, $0x1;
	s10 =	sld [smem:$0x3FBB];
	_ =	sdelay $0x3  }
0x37: {  	[smem:$0x3FBB] =	sst s10  }
0x38: {  	s10 =	sld [smem:$0x3FBC]  }
0x39: {  	_ = 	snop;
	(pc) =	sbr.ind lr, $3  }
0x3a: {  	_ = 	snop  }
0x3b: {  	_ = 	snop  }
0x3c: {  	p2 =	seq.s32 s10, $0x1;
	s10 =	sld [smem:$0x3FBB]  }
0x3d: {  	_ =	shalt  }
0x3e: {  	_ =	shalt  }
0x3f: {  	_ =	shalt  }
0x40: {  	_ =	shalt  }
0x41: {  	_ =	shalt  }
0x42: {  	_ =	shalt  }
0x43: {  	_ =	shalt  }
0x44: {  	_ =	shalt  }
0x45: {  	_ =	shalt  }
0x46: {  	_ =	shalt  }
0x47: {  	_ =	shalt  }
0x48: {  	_ =	shalt  }
0x49: {  	_ =	shalt  }
0x4a: {  	_ =	shalt  }
0x4b: {  	_ =	shalt  }
0x4c: {  	_ =	shalt  }
0x4d: {  	_ =	shalt  }
0x4e: {  	_ =	shalt  }
0x4f: {  	_ =	shalt  }
0x50: {  	_ =	shalt  }
0x51: {  	_ =	shalt  }
0x52: {  	_ =	shalt  }
0x53: {  	_ =	shalt  }
0x54: {  	_ =	shalt  }
0x55: {  	_ =	shalt  }
0x56: {  	_ =	shalt  }
0x57: {  	_ =	shalt  }
0x58: {  	_ =	shalt  }
0x59: {  	_ =	shalt  }
0x5a: {  	_ =	shalt  }
0x5b: {  	_ =	shalt  }
0x5c: {  	_ =	shalt  }
0x5d: {  	_ =	shalt  }
0x5e: {  	_ =	shalt  }
0x5f: {  	_ =	shalt  }
0x60: {  	_ =	shalt  }
0x61: {  	_ =	shalt  }
0x62: {  	_ =	shalt  }
0x63: {  	_ =	shalt  }
0x64: {  	_ =	shalt  }
0x65: {  	_ =	shalt  }
0x66: {  	_ =	shalt  }
0x67: {  	_ =	shalt  }
0x68: {  	_ =	shalt  }
0x69: {  	_ =	shalt  }
0x6a: {  	_ =	shalt  }
0x6b: {  	_ =	shalt  }
0x6c: {  	_ =	shalt  }
0x6d: {  	_ =	shalt  }
0x6e: {  	_ =	shalt  }
0x6f: {  	_ =	shalt  }
0x70: {  	_ =	shalt  }
0x71: {  	_ =	shalt  }
0x72: {  	_ =	shalt  }
0x73: {  	_ =	shalt  }
0x74: {  	_ =	shalt  }
0x75: {  	_ =	shalt  }
0x76: {  	_ =	shalt  }
0x77: {  	_ =	shalt  }
0x78: {  	_ =	shalt  }
0x79: {  	_ =	shalt  }
0x7a: {  	_ =	shalt  }
0x7b: {  	_ =	shalt  }
0x7c: {  	_ =	shalt  }
0x7d: {  	_ =	shalt  }
0x7e: {  	_ =	shalt  }
0x7f: {  	_ =	shalt  }
0x80: {  	_ =	shalt  }
0x81: {  	_ =	shalt  }
0x82: {  	_ =	shalt  }
0x83: {  	_ =	shalt  }
0x84: {  	_ =	shalt  }
0x85: {  	_ =	shalt  }
0x86: {  	_ =	shalt  }
0x87: {  	_ =	shalt  }
.Lfunc_end0:
.L_simem_size_0:
called_computation_lowered:
.L_overlay_start_0:
0x88: {  	s2 =	sld [smem:$0x3FD9]  }
0x89: {  	s3 =	sld [smem:$0x3FFE];
	_ =	sdelay $0x1  }
0x8a: {  	s1 =	srdreg.scid  }
0x8b: {  	s0 =	sand.u32 $0x1, s1  }
0x8c: {  	s18 =	sshll.u32 s0, $0xA;
	s2 =	sadd.s32 s3, s2  }
0x8d: {  	s2 =	sadd.s32 s2, s18  }
0x8e: {  	[smem:$0x3FC7] =	sst s2  }
0x8f: {  	_ = 	snop  }
0x90: {  	s2 =	sld [smem:$0x3FC9]  }
0x91: {  	s19 =	sld [smem:$0x3FD0];
	(tm) =	ssettm $0x1  }
0x92: {  	s4 =	sld [smem:$0x3FFB];
	_ =	sdelay $0x3  }
0x93: {  	_ =	strace s4  }
0x94: {  	s4 =	sld [smem:$0x3FFC];
	_ =	sdelay $0x3  }
0x95: {  	_ =	strace s4  }
0x96: {  	s4 =	sld [smem:$0x3FFD];
	_ =	sdelay $0x3  }
0x97: {  	_ =	strace s4  }
0x98: {  	_ =	strace $0x8FFFFFFF  }
0x99: {  	s20 =	sld [smem:$0x3FDB];
	_ =	sdelay $0x1  }
0x9a: {  	s5 =	simm.s32 $_scs_section_size  }
0x9b: {  	s6 =	simm.s32 $_size__tile_overlayer_lowered;
	s7 =	simm.s32 $_tile_overlayer_lowered  }
0x9c: {  	s23 =	simm.s32 $0x1BFF;
	s22 =	sshll.u32 s7, $0x1;
	s4 =	sadd.s32 s5, s20  }
0x9d: {  	s8 =	simm.s32 $0x0;
	s21 =	sshll.u32 s6, $0x1;
	s6 =	sadd.s32 s22, s4  }
0x9e: {  	[timem:s8], [sflag:s23] =	dma.local [hbm:s6], s21  }
0x9f: {  	_ =	swait.ge [sflag:s23], s21  }
0xa0: {  	s5 =	ssub.s32 $0x0, s21;
	[sflag:s23] =	ssyncset.done $0x0  }
0xa1: {  	[sflag:s23] =	ssyncadd.s32 s5;
	_ =	sdelay $0x1  }
0xa2: {  	s24 =	simm.s32 $0x1B8B  }
0xa3: {  	_ =	swait.ge [sflag:s24], $0x1  }
0xa4: {  	[sflag:s24] =	ssyncset.done $0x0  }
0xa5: {  	s25 =	simm.s32 $0x1B8E;
	[sflag:s24] =	ssyncadd.s32 $0xFFFFFFFF  }
0xa6: {  	s26 =	simm.s32 $execute0_lowered;
	[smem:$0x3FD2] =	sst s25  }
0xa7: {  	s5 =	sshll.u32 s26, $0x1;
	_ =	strace $0x80000046;
	[dreg:$0x1] =	wrdreg $0xFFFFFFFF  }
0xa8: {  	s28 =	simm.s32 $_size_execute0_lowered;
	s4 =	sadd.s32 s4, s5;
	[dreg:$0x0] =	wrdreg $0x0  }
0xa9: {  	s5 =	sshll.u32 s28, $0x1;
	[dreg:$0x2] =	wrdreg s4  }
0xaa: {  	[dreg:$0x3] =	wrdreg s5  }
0xab: {  	[dreg:$0x4] =	wrdreg $0xC0  }
0xac: {  	_ =	task [dreg:s8], $0x5FFFF  }
0xad: {  	[dreg:$0x1] =	wrdreg $0xFFFFFFFF  }
0xae: {  	[dreg:$0x0] =	wrdreg $0x60  }
0xaf: {  	[dreg:$0x2] =	wrdreg s2  }
0xb0: {  	[dreg:$0x3] =	wrdreg s19  }
0xb1: {  	[dreg:$0x4] =	wrdreg $0x9  }
0xb2: {  	_ =	task.clear_ibuf [dreg:s8], $0x5FFFF;
	_ =	strace $0x90000046  }
0xb3: {  	s29 =	simm.s32 $0x9;
	_ =	strace $0x80000048  }
0xb4: {  	_ =	swait.ge [sflag:s29], $0x1  }
0xb5: {  	[sflag:s29] =	ssyncadd.s32 $0xFFFFFFFF  }
0xb6: {  	_ =	strace $0x90000048  }
0xb7: {  	_ =	sfence  }
0xb8: {  	s30 =	sld [smem:$0x0];
	_ =	sdelay $0x2  }
0xb9: {  	s31 =	sshll.u32 s1, $0xD;
	s1 =	sshrl.u32 s1, $0x2  }
0xba: {  	s3 =	sand.u32 $0x4000, s31;
	s1 =	sadd.s32 s1, s30  }
0xbb: {  	s0 =	sor.u32 s3, s0;
	s1 =	sshll.u32 s1, $0x11  }
0xbc: {  	s0 =	sor.u32 s1, s0  }
0xbd: {  	s0 =	sadd.s32 $0x8F2B, s0  }
0xbe: {  	[sflag:s0] =	ssyncadd.remote.s32 $0x1  }
0xbf: {  	_ =	sfence.sel $0xFFFF  }
0xc0: {  	[dreg:$0x0] =	wrdreg $0xFFFFFFFF;
	(pc) =	sbr.abs _section_cstart, $3  }
0xc1: {  	[dreg:$0x1] =	wrdreg $0xFFFFFFFF  }
0xc2: {  	_ =	task.clear_ibuf [dreg:s8], $0x2FFFF;
	_ =	strace $0x9FFFFFFF  }
0xc3: {  	(tm) =	ssettm $0x7FFFFFFF  }
tec
execute0_lowered:
.L_overlay_start_1:
0x0: {  	(tag) =	ssettag $0x1  }
0x1: {  	s1 =	rddreg [dreg:$0x0];
	s0 =	srdreg.scid  }
0x2: {  	s2 =	rddreg [dreg:$0x1];
	s4 =	simm.s32 $0x0;
	s3 =	stileid.u32  }
0x3: {  	s8 =	simm.s32 $0x400;
	s9 =	simm.s32 $0x1;
	s10 =	simm.s32 $0x18000  }
0x4: {  	s11 =	simm.s32 $0x10000;
	s12 =	simm.s32 $0x8000;
	s13 =	simm.s32 $0x19000  }
.Ltmp0:
0x5: {  	s14 =	simm.s32 $0x1A000;
	s5 =	sand.u32 $0x1, s0;
	(pc) =	sbr.rel .LBB2_1-.Ltmp0, $4  }
0x6: {  	v0 =	vlaneseq.u32;
	s15 =	simm.s32 $0x0;
	s0 =	rddreg [dreg:$0x2];
	s6 =	ssub.s32 $0x2, s5  }
0x7: {  	[smem:$0x7FF] =	sst s4;
	s31 =	sshll.u32 s3, $0xF;
	v4 =	vmul.u32 $0xFFFFFFFF, v0;
	s7 =	sshrl.u32 s6, $0x1  }
0x8: {  	v1 =	vimm.f32 $0.0e+00;
	s5 =	sshll.u32 s5, $0x6;
	_ =	strace $0x80000047;
	s6 =	ssub.s32 s6, s7  }
0x9: {  	v2 =	vimm.s32 $0x0;
	v3 =	vimm.s32 $0x1;
	s5 =	sor.u32 s31, s5;
	v4 =	vadd.s32 $0xF, v4;
	s7 =	simm.s32 $0x80;
	s6 =	smax.u32 s6, $0x1  }
.LBB2_37:
0xa: {  	s15 =	sadd.s32 $0x1, s15  }
0xb: {  	p0 =	sne.s32 s15, s6  }
.Ltmp1:
0xc: {  	_ = 	snop;
	(pc) =	sbr.rel @!p0 .LBB2_38-.Ltmp1, $1  }
0xd: {  	_ =	sdelay $0x3  }
.LBB2_1:
0xe: {  	s16 =	simm.s32 $0x8040  }
0xf: {  	[tilespmem:s16+$0xFFFFFFC0] =	vst v1  }
0x10: {  	[tilespmem:s16+$0x30] =	vst v1  }
0x11: {  	[tilespmem:s16+$0x20] =	vst v1  }
0x12: {  	[tilespmem:s16+$0x10] =	vst v1  }
0x13: {  	[tilespmem:s16+$0x0] =	vst v1  }
0x14: {  	[tilespmem:s16+$0xFFFFFFF0] =	vst v1  }
0x15: {  	s18 =	simm.s32 $0x0;
	[tilespmem:s16+$0xFFFFFFE0] =	vst v1  }
.LBB2_2:
0x16: {  	s18 =	sadd.s32 $0x80, s18;
	[tilespmem:s16+$0xFFFFFFD0] =	vst v1;
	s16 =	sadd.s32 $0x80, s16;
	s17 =	simm.s32 $0x18040  }
0x17: {  	[tilespmem:s16+$0xFFFFFFC0] =	vst v1;
	p0 =	slt.u32 s18, $0x7F80  }
0x18: {  	[tilespmem:s16+$0x30] =	vst v1  }
.Ltmp2:
0x19: {  	[tilespmem:s16+$0x20] =	vst v1;
	(pc) =	sbr.rel @p0 .LBB2_2-.Ltmp2, $4  }
0x1a: {  	[tilespmem:s16+$0x10] =	vst v1  }
0x1b: {  	[tilespmem:s16+$0x0] =	vst v1  }
0x1c: {  	[tilespmem:s16+$0xFFFFFFF0] =	vst v1  }
0x1d: {  	[tilespmem:s16+$0xFFFFFFE0] =	vst v1  }
0x1e: {  	[tilespmem:s16+$0xFFFFFFD0] =	vst v1  }
0x1f: {  	[tilespmem:s17+$0xFFFFFFC0] =	vst v2  }
0x20: {  	[tilespmem:s17+$0x30] =	vst v2  }
0x21: {  	[tilespmem:s17+$0x20] =	vst v2  }
0x22: {  	[tilespmem:s17+$0x10] =	vst v2  }
0x23: {  	[tilespmem:s17+$0x0] =	vst v2  }
0x24: {  	[tilespmem:s17+$0xFFFFFFF0] =	vst v2  }
0x25: {  	s18 =	simm.s32 $0x0;
	s16 =	simm.s32 $0x19040;
	[tilespmem:s17+$0xFFFFFFE0] =	vst v2  }
.LBB2_4:
0x26: {  	s18 =	sadd.s32 $0x80, s18;
	[tilespmem:s17+$0xFFFFFFD0] =	vst v2;
	s17 =	sadd.s32 $0x80, s17  }
0x27: {  	[tilespmem:s17+$0xFFFFFFC0] =	vst v2;
	p0 =	slt.u32 s18, $0xF80  }
0x28: {  	[tilespmem:s17+$0x30] =	vst v2  }
.Ltmp3:
0x29: {  	[tilespmem:s17+$0x20] =	vst v2;
	(pc) =	sbr.rel @p0 .LBB2_4-.Ltmp3, $4  }
0x2a: {  	[tilespmem:s17+$0x10] =	vst v2  }
0x2b: {  	[tilespmem:s17+$0x0] =	vst v2  }
0x2c: {  	[tilespmem:s17+$0xFFFFFFF0] =	vst v2  }
0x2d: {  	[tilespmem:s17+$0xFFFFFFE0] =	vst v2  }
0x2e: {  	[tilespmem:s17+$0xFFFFFFD0] =	vst v2  }
0x2f: {  	[tilespmem:s16+$0xFFFFFFC0] =	vst v2  }
0x30: {  	[tilespmem:s16+$0x30] =	vst v2  }
0x31: {  	[tilespmem:s16+$0x20] =	vst v2  }
0x32: {  	[tilespmem:s16+$0x10] =	vst v2  }
0x33: {  	[tilespmem:s16+$0x0] =	vst v2  }
0x34: {  	[tilespmem:s16+$0xFFFFFFF0] =	vst v2  }
0x35: {  	s17 =	simm.s32 $0x0;
	[tilespmem:s16+$0xFFFFFFE0] =	vst v2  }
.LBB2_6:
0x36: {  	s17 =	sadd.s32 $0x80, s17;
	[tilespmem:s16+$0xFFFFFFD0] =	vst v2;
	s16 =	sadd.s32 $0x80, s16  }
0x37: {  	[tilespmem:s16+$0xFFFFFFC0] =	vst v2;
	p0 =	slt.u32 s17, $0xF80  }
0x38: {  	[tilespmem:s16+$0x30] =	vst v2  }
.Ltmp4:
0x39: {  	[tilespmem:s16+$0x20] =	vst v2;
	(pc) =	sbr.rel @p0 .LBB2_6-.Ltmp4, $4  }
0x3a: {  	[tilespmem:s16+$0x10] =	vst v2  }
0x3b: {  	[tilespmem:s16+$0x0] =	vst v2  }
0x3c: {  	[tilespmem:s16+$0xFFFFFFF0] =	vst v2  }
0x3d: {  	[tilespmem:s16+$0xFFFFFFE0] =	vst v2  }
0x3e: {  	[tilespmem:s16+$0xFFFFFFD0] =	vst v2  }
0x3f: {  	[tilespmem:$0x1A000] =	vst v2  }
0x40: {  	[tilespmem:$0x1A010] =	vst v2  }
0x41: {  	[tilespmem:$0x1A020] =	vst v2  }
.Ltmp5:
0x42: {  	[tilespmem:$0x1A030] =	vst v2;
	(pc) =	sbr.rel .LBB2_8-.Ltmp5, $4  }
0x43: {  	[tilespmem:$0x1A040] =	vst v2  }
0x44: {  	[tilespmem:$0x1A050] =	vst v2  }
0x45: {  	[tilespmem:$0x1A060] =	vst v2  }
0x46: {  	s16 =	simm.s32 $0x0;
	s20 =	simm.s32 $0x1000;
	s17 =	simm.s32 $0x0;
	[tilespmem:$0x1A070] =	vst v2  }
.LBB2_35:
0x47: {  	[hbm4b:s18+s7] =	stream.strided.scatter [tilespmem:s12], [sflag:$0x1], $0x8000, s8, s7, $0x38;
	[tilespmem:$0x1A080] =	vst v63  }
0x48: {  	_ =	swait.ge [sflag:s9], $0x8000  }
0x49: {  	[sflag:s9] =	ssyncset.done $0x0  }
0x4a: {  	[sflag:s9] =	ssyncadd.s32 $0xFFFF8000  }
.LBB2_36:
0x4b: {  	p0 =	sgt.s32 s19, $0x0;
	s17 =	sadd.s32 $0x1, s17  }
0x4c: {  	s19 =	simm.s32 @!p0 $0x0;
	p0 =	sne.s32 s17, $0x4  }
.Ltmp6:
0x4d: {  	_ = 	snop;
	(pc) =	sbr.rel @!p0 .LBB2_37-.Ltmp6, $2  }
0x4e: {  	_ =	sdelay $0x2  }
0x4f: {  	s20 =	smov.u32 s19  }
.LBB2_8:
0x50: {  	s18 =	sshll.u32 s17, $0x4  }
0x51: {  	s18 =	sadd.s32 s5, s18  }
0x52: {  	s19 =	sadd.s32 s1, s18  }
0x53: {  	[tilespmem:s16], [sflag:$0x1] =	stream.strided.gather [hbm4b:s19+s7], $0x8000, s8, s7, $0x38;
	[tilespmem:$0x1A080] =	vst v63  }
0x54: {  	_ =	swait.ge [sflag:s9], $0x8000  }
0x55: {  	s23 =	simm.s32 $0x70;
	s24 =	simm.s32 $0x40;
	[sflag:s9] =	ssyncset.done $0x0  }
0x56: {  	v5 =	vmov s20;
	s21 =	simm.s32 $0x0;
	s19 =	simm.s32 $0xFFFFFFF8;
	[sflag:s9] =	ssyncadd.s32 $0xFFFF8000  }
.LBB2_9:
0x57: {  	v6 =	vld [tilespmem:s24+$0xFFFFFFC0];
	_ =	sdelay $0x4  }
0x58: {  	v6 =	vmax.f32 v6, $0.0e+00  }
0x59: {  	v6 =	vshra.s32 v6, $0x13  }
0x5a: {  	vm0 =	vge.s32 v6, v5  }
0x5b: {  	v7 =	vsel vm0, $0x1, v2  }
0x5c: {  	(xrf0) =	vadd.scan.msk.s32 $0xffff, v7;
	_ =	sdelay $0x4  }
0x5d: {  	v7 =	vsel vm0, $0xFFFFFFFF, v2  }
0x5e: {  	v7 =	vadd.s32 s21, v7;
	v8, _, _ =	vpop (xrf0)  }
0x5f: {  	v7 =	vadd.s32 v8, v7;
	_ =	sdelay $0x2  }
0x60: {  	s22 =	sadd.s32 $0xFFFFFF90, s23  }
0x61: {  	[tilespmem:v6+s10+$0x0] =	vst.idx.add.s32.msk $0xffff, v3;
	v6 =	vor.u32 s22, v0  }
0x62: {  	[tilespmem:v7+s11+$0x0] =	vst.idx.msk vm0, v6  }
0x63: {  	(v2sf) =	vpush v8, $0xF;
	v6 =	vld [tilespmem:s24+$0xFFFFFFD0];
	_ =	sdelay $0x4  }
0x64: {  	v6 =	vmax.f32 v6, $0.0e+00  }
0x65: {  	v6 =	vshra.s32 v6, $0x13  }
0x66: {  	vm9 =	vge.s32 v6, v5  }
0x67: {  	v7 =	vsel vm9, $0x1, v2  }
0x68: {  	(xrf0) =	vadd.scan.msk.s32 $0xffff, v7;
	_ =	sdelay $0x5  }
0x69: {  	s25 =	spop (v2sf);
	v7 =	vsel vm9, $0xFFFFFFFF, v2;
	v56, _, _ =	vpop (xrf0)  }
0x6a: {  	s26 =	sadd.s32 s21, s25;
	v7 =	vadd.s32 v7, v56  }
0x6b: {  	v7 =	vadd.s32 s26, v7;
	_ =	sdelay $0x2  }
0x6c: {  	s29 =	sadd.s32 $0xFFFFFFA0, s23  }
0x6d: {  	[tilespmem:v6+s10+$0x0] =	vst.idx.add.s32.msk $0xffff, v3;
	v6 =	vor.u32 s29, v0  }
0x6e: {  	[tilespmem:v7+s11+$0x0] =	vst.idx.msk vm9, v6  }
0x6f: {  	(v2sf) =	vpush v56, $0xF;
	v6 =	vld [tilespmem:s24+$0xFFFFFFE0];
	_ =	sdelay $0x4  }
0x70: {  	v6 =	vmax.f32 v6, $0.0e+00  }
0x71: {  	v6 =	vshra.s32 v6, $0x13  }
0x72: {  	vm10 =	vge.s32 v6, v5  }
0x73: {  	v7 =	vsel vm10, $0x1, v2  }
0x74: {  	(xrf0) =	vadd.scan.msk.s32 $0xffff, v7;
	_ =	sdelay $0x5  }
0x75: {  	s30 =	spop (v2sf);
	v7 =	vsel vm10, $0xFFFFFFFF, v2;
	v57, _, _ =	vpop (xrf0)  }
0x76: {  	s21 =	sadd.s32 s26, s30;
	v7 =	vadd.s32 v7, v57  }
0x77: {  	v7 =	vadd.s32 s21, v7;
	_ =	sdelay $0x2  }
0x78: {  	s31 =	sadd.s32 $0xFFFFFFB0, s23  }
0x79: {  	[tilespmem:v6+s10+$0x0] =	vst.idx.add.s32.msk $0xffff, v3;
	v6 =	vor.u32 s31, v0  }
0x7a: {  	[tilespmem:v7+s11+$0x0] =	vst.idx.msk vm10, v6  }
0x7b: {  	(v2sf) =	vpush v57, $0xF;
	v6 =	vld [tilespmem:s24+$0xFFFFFFF0];
	_ =	sdelay $0x4  }
0x7c: {  	v6 =	vmax.f32 v6, $0.0e+00  }
0x7d: {  	v6 =	vshra.s32 v6, $0x13  }
0x7e: {  	vm11 =	vge.s32 v6, v5  }
0x7f: {  	v7 =	vsel vm11, $0x1, v2  }
0x80: {  	(xrf0) =	vadd.scan.msk.s32 $0xffff, v7;
	_ =	sdelay $0x5  }
0x81: {  	s25 =	spop (v2sf);
	v7 =	vsel vm11, $0xFFFFFFFF, v2;
	v58, _, _ =	vpop (xrf0)  }
0x82: {  	s21 =	sadd.s32 s21, s25;
	v7 =	vadd.s32 v7, v58  }
0x83: {  	v7 =	vadd.s32 s21, v7;
	_ =	sdelay $0x2  }
0x84: {  	s26 =	sadd.s32 $0xFFFFFFC0, s23  }
0x85: {  	[tilespmem:v6+s10+$0x0] =	vst.idx.add.s32.msk $0xffff, v3;
	v6 =	vor.u32 s26, v0  }
0x86: {  	[tilespmem:v7+s11+$0x0] =	vst.idx.msk vm11, v6  }
0x87: {  	(v2sf) =	vpush v58, $0xF;
	v6 =	vld [tilespmem:s24+$0x0];
	_ =	sdelay $0x4  }
0x88: {  	v6 =	vmax.f32 v6, $0.0e+00  }
0x89: {  	v6 =	vshra.s32 v6, $0x13  }
0x8a: {  	vm12 =	vge.s32 v6, v5  }
0x8b: {  	v7 =	vsel vm12, $0x1, v2  }
0x8c: {  	(xrf0) =	vadd.scan.msk.s32 $0xffff, v7;
	_ =	sdelay $0x5  }
0x8d: {  	s29 =	spop (v2sf);
	v7 =	vsel vm12, $0xFFFFFFFF, v2;
	v59, _, _ =	vpop (xrf0)  }
0x8e: {  	s21 =	sadd.s32 s21, s29;
	v7 =	vadd.s32 v7, v59  }
0x8f: {  	v7 =	vadd.s32 s21, v7;
	_ =	sdelay $0x2  }
0x90: {  	s30 =	sadd.s32 $0xFFFFFFD0, s23  }
0x91: {  	[tilespmem:v6+s10+$0x0] =	vst.idx.add.s32.msk $0xffff, v3;
	v6 =	vor.u32 s30, v0  }
0x92: {  	[tilespmem:v7+s11+$0x0] =	vst.idx.msk vm12, v6  }
0x93: {  	(v2sf) =	vpush v59, $0xF;
	v6 =	vld [tilespmem:s24+$0x10];
	_ =	sdelay $0x4  }
0x94: {  	v6 =	vmax.f32 v6, $0.0e+00  }
0x95: {  	v6 =	vshra.s32 v6, $0x13  }
0x96: {  	vm13 =	vge.s32 v6, v5  }
0x97: {  	v7 =	vsel vm13, $0x1, v2  }
0x98: {  	(xrf0) =	vadd.scan.msk.s32 $0xffff, v7;
	_ =	sdelay $0x5  }
0x99: {  	s31 =	spop (v2sf);
	v7 =	vsel vm13, $0xFFFFFFFF, v2;
	v60, _, _ =	vpop (xrf0)  }
0x9a: {  	s21 =	sadd.s32 s21, s31;
	v7 =	vadd.s32 v7, v60  }
0x9b: {  	v7 =	vadd.s32 s21, v7;
	_ =	sdelay $0x2  }
0x9c: {  	s25 =	sadd.s32 $0xFFFFFFE0, s23  }
0x9d: {  	[tilespmem:v6+s10+$0x0] =	vst.idx.add.s32.msk $0xffff, v3;
	v6 =	vor.u32 s25, v0  }
0x9e: {  	[tilespmem:v7+s11+$0x0] =	vst.idx.msk vm13, v6  }
0x9f: {  	(v2sf) =	vpush v60, $0xF;
	v6 =	vld [tilespmem:s24+$0x20];
	_ =	sdelay $0x4  }
0xa0: {  	v6 =	vmax.f32 v6, $0.0e+00  }
0xa1: {  	v6 =	vshra.s32 v6, $0x13  }
0xa2: {  	vm14 =	vge.s32 v6, v5  }
0xa3: {  	v7 =	vsel vm14, $0x1, v2  }
0xa4: {  	(xrf0) =	vadd.scan.msk.s32 $0xffff, v7;
	_ =	sdelay $0x5  }
0xa5: {  	s26 =	spop (v2sf);
	v7 =	vsel vm14, $0xFFFFFFFF, v2;
	v61, _, _ =	vpop (xrf0)  }
0xa6: {  	s21 =	sadd.s32 s21, s26;
	v7 =	vadd.s32 v7, v61  }
0xa7: {  	v7 =	vadd.s32 s21, v7;
	_ =	sdelay $0x2  }
0xa8: {  	s29 =	sadd.s32 $0xFFFFFFF0, s23  }
0xa9: {  	[tilespmem:v6+s10+$0x0] =	vst.idx.add.s32.msk $0xffff, v3;
	v6 =	vor.u32 s29, v0  }
0xaa: {  	[tilespmem:v7+s11+$0x0] =	vst.idx.msk vm14, v6  }
0xab: {  	v6 =	vld [tilespmem:s24+$0x30];
	_ =	sdelay $0x4  }
0xac: {  	v6 =	vmax.f32 v6, $0.0e+00  }
0xad: {  	v6 =	vshra.s32 v6, $0x13  }
0xae: {  	vm15 =	vge.s32 v6, v5  }
0xaf: {  	v7 =	vsel vm15, $0x1, v2  }
0xb0: {  	(xrf0) =	vadd.scan.msk.s32 $0xffff, v7  }
0xb1: {  	(v2sf) =	vpush v61, $0xF;
	_ =	sdelay $0x4  }
0xb2: {  	v7, _, _ =	vpop (xrf0)  }
0xb3: {  	(v2sf) =	vpush v7, $0xF;
	_ =	sdelay $0x8  }
0xb4: {  	s30 =	spop (v2sf);
	v62 =	vsel vm15, $0xFFFFFFFF, v2  }
0xb5: {  	s19 =	sadd.s32 $0x8, s19;
	s21 =	sadd.s32 s21, s30;
	v7 =	vadd.s32 v62, v7  }
0xb6: {  	p0 =	slt.u32 s19, $0x7F8;
	v7 =	vadd.s32 s21, v7  }
.Ltmp7:
0xb7: {  	_ = 	snop;
	(pc) =	sbr.rel @p0 .LBB2_9-.Ltmp7, $4  }
0xb8: {  	_ = 	snop  }
0xb9: {  	s28 =	simm.s32 $0x0;
	s22 =	simm.s32 $0x100F000  }
0xba: {  	v63 =	vor.u32 s23, v0;
	s23 =	sadd.s32 $0x80, s23;
	s25 =	simm.s32 $0x100E;
	[tilespmem:v6+s10+$0x0] =	vst.idx.add.s32.msk $0xffff, v3;
	s31 =	spop (v2sf)  }
0xbb: {  	s26 =	simm.s32 $0x19000;
	s24 =	sadd.s32 $0x80, s24;
	[tilespmem:v7+s11+$0x0] =	vst.idx.msk vm15, v63;
	s21 =	sadd.s32 s21, s31  }
.LBB2_10:
0xbc: {  	v5 =	vld [tilespmem:s26+$0xFFFFFFF0];
	_ =	sdelay $0x4  }
0xbd: {  	(xrf0) =	vadd.scan.msk.s32 $0xffff, v5;
	_ =	sdelay $0x5  }
0xbe: {  	v5, _, _ =	vpop (xrf0)  }
0xbf: {  	(v2sf) =	vpush v5, $0xF;
	_ =	sdelay $0xe  }
0xc0: {  	s23 =	spop (v2sf)  }
0xc1: {  	s28 =	sadd.s32 s28, s23  }
0xc2: {  	p0 =	slt.s32 s28, $0x40  }
.Ltmp8:
0xc3: {  	_ = 	snop;
	(pc) =	sbr.rel @p0 .LBB2_10-.Ltmp8, $3  }
0xc4: {  	_ =	sdelay $0x1  }
0xc5: {  	s19 =	smov.u32 s26  }
0xc6: {  	s26 =	sadd.s32 $0xFFFFFFF0, s26;
	s25 =	sadd.s32 $0xFFFFFFF0, s25;
	s22 =	sadd.s32 $0xFFFF0000, s22  }
0xc7: {  	v5 =	vld [tilespmem:s19+$0xFFFFFFF0];
	_ =	sdelay $0x4  }
0xc8: {  	(xrf0) =	vadd.scan.msk.s32 $0xffff, v5;
	_ =	sdelay $0x5  }
0xc9: {  	v6, _, _ =	vpop (xrf0)  }
0xca: {  	(v2sf) =	vpush v6, $0xF;
	_ =	sdelay $0x8  }
0xcb: {  	v5 =	vperm.xlane v5, v4;
	_ =	sdelay $0x1  }
0xcc: {  	(xrf0) =	vadd.scan.msk.s32 $0xffff, v5  }
0xcd: {  	s26 =	simm.s32 $0x18040  }
0xce: {  	[tilespmem:s26+$0xFFFFFFC0] =	vst v2  }
0xcf: {  	[tilespmem:s26+$0x30] =	vst v2  }
0xd0: {  	[tilespmem:s26+$0x20] =	vst v2;
	s31 =	spop (v2sf)  }
0xd1: {  	[tilespmem:s26+$0x10] =	vst v2;
	s24 =	ssub.s32 s28, s31  }
0xd2: {  	[tilespmem:s26+$0x0] =	vst v2;
	v6, _, _ =	vpop (xrf0);
	s19 =	ssub.s32 $0x40, s24  }
0xd3: {  	[tilespmem:s26+$0xFFFFFFF0] =	vst v2;
	vm0 =	vge.s32 v6, s19  }
0xd4: {  	[tilespmem:s26+$0xFFFFFFE0] =	vst v2;
	s19 =	simm.s32 $0x0;
	v7 =	vmctz.xlane vm0  }
.LBB2_12:
0xd5: {  	s19 =	sadd.s32 $0x80, s19;
	[tilespmem:s26+$0xFFFFFFD0] =	vst v2;
	s26 =	sadd.s32 $0x80, s26  }
0xd6: {  	[tilespmem:s26+$0xFFFFFFC0] =	vst v2;
	p0 =	slt.u32 s19, $0xF80  }
0xd7: {  	[tilespmem:s26+$0x30] =	vst v2  }
.Ltmp9:
0xd8: {  	[tilespmem:s26+$0x20] =	vst v2;
	(pc) =	sbr.rel @p0 .LBB2_12-.Ltmp9, $4  }
0xd9: {  	[tilespmem:s26+$0x10] =	vst v2  }
0xda: {  	[tilespmem:s26+$0x0] =	vst v2  }
0xdb: {  	[tilespmem:s26+$0xFFFFFFF0] =	vst v2  }
0xdc: {  	[tilespmem:s26+$0xFFFFFFE0] =	vst v2  }
0xdd: {  	vm0 =	veq.s32 v7, v0  }
0xde: {  	v7 =	vnsel vm0, $0x0, v0  }
0xdf: {  	(xrf0) =	vadd.scan.msk.s32 $0xffff, v7;
	_ =	sdelay $0x5  }
0xe0: {  	v7, _, _ =	vpop (xrf0)  }
0xe1: {  	v8 =	vbroadcast v7, $0xF;
	_ =	sdelay $0x1  }
0xe2: {  	vm15 =	veq.s32 v8, v0  }
0xe3: {  	v6 =	vnsel vm15, $0x0, v6  }
0xe4: {  	(v2sf) =	vpush v7, $0xF;
	v5 =	vnsel vm15, $0x0, v5;
	(xrf0) =	vadd.scan.msk.s32 $0xffff, v6  }
0xe5: {  	(xrf0) =	vadd.scan.msk.s32 $0xffff, v5;
	_ =	sdelay $0x4  }
0xe6: {  	v5, _, _ =	vpop (xrf0)  }
0xe7: {  	(v2sf) =	vpush v5, $0xF;
	v5, _, _ =	vpop (xrf0)  }
0xe8: {  	(v2sf) =	vpush v5, $0xF;
	_ =	sdelay $0x6  }
0xe9: {  	s23 =	spop (v2sf)  }
0xea: {  	s19 =	ssub.s32 s25, s23  }
0xeb: {  	s28 =	sadd.s32 $0x1, s19  }
0xec: {  	p0 =	sle.s32 s20, s28  }
.Ltmp10:
0xed: {  	_ = 	snop;
	(pc) =	sbr.rel @p0 .LBB2_17-.Ltmp10, $3  }
0xee: {  	_ =	sdelay $0x1  }
0xef: {  	s25 =	spop (v2sf)  }
0xf0: {  	[tilespmem:s26+$0xFFFFFFD0] =	vst v2;
	v5 =	vmov s28;
	s26 =	spop (v2sf)  }
0xf1: {  	s20 =	simm.s32 $0x0  }
0xf2: {  	v6 =	vld [tilespmem:s20+$0x0];
	_ =	sdelay $0x4  }
0xf3: {  	v6 =	vmax.f32 v6, $0.0e+00  }
0xf4: {  	v6 =	vshra.s32 v6, $0x13  }
0xf5: {  	vm0 =	vge.s32 v6, v5  }
0xf6: {  	v6 =	vsel vm0, $0x1, v2  }
0xf7: {  	(xrf0) =	vadd.scan.msk.s32 $0xffff, v6;
	_ =	sdelay $0x4  }
0xf8: {  	v6 =	vsel vm0, $0xFFFFFFFF, v2  }
0xf9: {  	v6 =	vadd.s32 s20, v6;
	v7, _, _ =	vpop (xrf0)  }
0xfa: {  	v6 =	vadd.s32 v7, v6;
	(v2sf) =	vpush v7, $0xF;
	_ =	sdelay $0x3  }
0xfb: {  	v8 =	vor.u32 s20, v0  }
0xfc: {  	s21 =	simm.s32 $0x10;
	[tilespmem:v6+s11+$0x0] =	vst.idx.msk vm0, v8  }
0xfd: {  	s28 =	simm.s32 $0x20;
	s29 =	simm.s32 $0x10;
	v6 =	vld [tilespmem:s21+$0x0]  }
.LBB2_15:
0xfe: {  	p0 =	sne.s32 s28, $0x7FF0;
	_ =	sdelay $0x3  }
0xff: {  	v6 =	vmax.f32 v6, $0.0e+00  }
0x100: {  	v6 =	vshra.s32 v6, $0x13  }
0x101: {  	vm0 =	vge.s32 v6, v5  }
0x102: {  	v6 =	vsel vm0, $0xFFFFFFFF, v2;
	v7 =	vsel vm0, $0x1, v2  }
0x103: {  	(xrf0) =	vadd.scan.msk.s32 $0xffff, v7;
	s30 =	spop (v2sf)  }
0x104: {  	s20 =	sadd.s32 s20, s30  }
0x105: {  	v6 =	vadd.s32 s20, v6;
	_ =	sdelay $0x3  }
0x106: {  	v7, _, _ =	vpop (xrf0)  }
0x107: {  	v6 =	vadd.s32 v7, v6;
	(v2sf) =	vpush v7, $0xF;
	_ =	sdelay $0x1  }
.Ltmp11:
0x108: {  	(pc) =	sbr.rel @p0 .LBB2_15-.Ltmp11, $4  }
0x109: {  	_ = 	snop  }
0x10a: {  	v7 =	vor.u32 s21, v0;
	s21 =	smov.u32 s28  }
0x10b: {  	s29 =	sadd.s32 $0x10, s29;
	[tilespmem:v6+s11+$0x0] =	vst.idx.msk vm0, v7  }
0x10c: {  	s28 =	sadd.s32 $0x10, s28;
	v6 =	vld [tilespmem:s29+$0x0]  }
0x10d: {  	_ =	sdelay $0x3  }
0x10e: {  	v6 =	vmax.f32 v6, $0.0e+00  }
0x10f: {  	v6 =	vshra.s32 v6, $0x13  }
0x110: {  	vm0 =	vge.s32 v6, v5  }
0x111: {  	v6 =	vsel vm0, $0x1, v2  }
0x112: {  	(xrf0) =	vadd.scan.msk.s32 $0xffff, v6;
	_ =	sdelay $0x5  }
0x113: {  	v6, _, _ =	vpop (xrf0)  }
0x114: {  	(v2sf) =	vpush v6, $0xF;
	_ =	sdelay $0x7  }
0x115: {  	s28 =	spop (v2sf)  }
0x116: {  	v7 =	vsel vm0, $0xFFFFFFFF, v2;
	s20 =	sadd.s32 s20, s28  }
0x117: {  	v7 =	vadd.s32 s20, v7  }
0x118: {  	v6 =	vadd.s32 v6, v7;
	_ =	sdelay $0x3  }
0x119: {  	v7 =	vor.u32 s21, v0;
	s31 =	spop (v2sf)  }
0x11a: {  	[tilespmem:v6+s11+$0x0] =	vst.idx.msk vm0, v7;
	s21 =	sadd.s32 s20, s31  }
.LBB2_17:
0x11b: {  	s20 =	sadd.s32 $0xF, s21  }
0x11c: {  	s20 =	sshrl.u32 s20, $0x4  }
0x11d: {  	p0 =	seq.s32 s20, $0x0  }
.Ltmp12:
0x11e: {  	_ = 	snop;
	(pc) =	sbr.rel @p0 .LBB2_20-.Ltmp12, $1  }
0x11f: {  	_ =	sdelay $0x3  }
0x120: {  	v6 =	vmov s21;
	s28 =	simm.s32 $0x10000;
	s29 =	simm.s32 $0x0;
	s30 =	smov.u32 s20  }
.LBB2_19:
0x121: {  	v7 =	vld [tilespmem:s28+$0x0]  }
0x122: {  	v8 =	vor.u32 s29, v0  }
0x123: {  	vm0 =	vlt.s32 v8, v6;
	_ =	sdelay $0x5  }
0x124: {  	v7 =	vld.idx.msk [tilespmem:v7+s4+$0x0], vm0;
	_ =	sdelay $0x4  }
0x125: {  	v7 =	vmax.f32 v7, $0.0e+00  }
0x126: {  	v8 =	vshra.s32 v7, $0x13  }
0x127: {  	vm1 =	veq.s32 v8, v5  }
0x128: {  	v7 =	vshrl.u32 v7, $0x7;
	vm0 =	vmand vm0, vm1  }
0x129: {  	p1 =	seq.s32 s30, $0x1;
	v7 =	vand.u32 $0xFFF, v7  }
.Ltmp13:
0x12a: {  	_ = 	snop;
	(pc) =	sbr.rel @!p1 .LBB2_19-.Ltmp13, $2  }
0x12b: {  	_ =	sdelay $0x2  }
0x12c: {  	s28 =	sadd.s32 $0x10, s28;
	s29 =	sadd.s32 $0x10, s29;
	s30 =	sadd.s32 $0xFFFFFFFF, s30;
	[tilespmem:v7+s13+$0x0] =	vst.idx.add.s32.msk vm0, v3  }
.LBB2_20:
0x12d: {  	s24 =	sadd.s32 s25, s24  }
0x12e: {  	s24 =	ssub.s32 s26, s24  }
0x12f: {  	s24 =	sadd.s32 $0x40, s24  }
0x130: {  	p1 =	sgt.s32 s24, $0x0  }
.Ltmp14:
0x131: {  	_ = 	snop;
	(pc) =	sbr.rel @!p1 .LBB2_22-.Ltmp14, $2  }
0x132: {  	_ =	sdelay $0x2  }
0x133: {  	s25 =	simm.s32 $0x0;
	s28 =	simm.s32 $0x19FF0;
	s26 =	simm.s32 $0xFF0  }
.LBB2_21:
0x134: {  	v6 =	vld [tilespmem:s28+$0x0];
	_ =	sdelay $0x4  }
0x135: {  	(xrf0) =	vadd.scan.msk.s32 $0xffff, v6;
	_ =	sdelay $0x5  }
0x136: {  	v6, _, _ =	vpop (xrf0)  }
0x137: {  	(v2sf) =	vpush v6, $0xF;
	_ =	sdelay $0xe  }
0x138: {  	s29 =	spop (v2sf)  }
0x139: {  	s25 =	sadd.s32 s25, s29  }
0x13a: {  	p1 =	slt.s32 s25, s24  }
.Ltmp15:
0x13b: {  	_ = 	snop;
	(pc) =	sbr.rel @p1 .LBB2_21-.Ltmp15, $2  }
0x13c: {  	_ =	sdelay $0x2  }
0x13d: {  	s28 =	sadd.s32 $0xFFFFFFF0, s28;
	s26 =	sadd.s32 $0xFFFFFFF0, s26  }
.LBB2_22:
0x13e: {  	v6 =	vld [tilespmem:s26+$0x19010];
	_ =	sdelay $0x4  }
0x13f: {  	(xrf0) =	vadd.scan.msk.s32 $0xffff, v6;
	_ =	sdelay $0x5  }
0x140: {  	v7, _, _ =	vpop (xrf0)  }
0x141: {  	(v2sf) =	vpush v7, $0xF;
	_ =	sdelay $0x8  }
0x142: {  	v6 =	vperm.xlane v6, v4;
	_ =	sdelay $0x1  }
0x143: {  	(xrf0) =	vadd.scan.msk.s32 $0xffff, v6;
	_ =	sdelay $0x3  }
0x144: {  	s28 =	spop (v2sf)  }
0x145: {  	s25 =	ssub.s32 s25, s28  }
0x146: {  	v7, _, _ =	vpop (xrf0);
	s28 =	ssub.s32 s24, s25  }
0x147: {  	vm0 =	vge.s32 v7, s28  }
0x148: {  	v8 =	vmctz.xlane vm0;
	_ =	sdelay $0x1  }
0x149: {  	vm0 =	veq.s32 v8, v0  }
0x14a: {  	v8 =	vnsel vm0, $0x0, v0  }
0x14b: {  	(xrf0) =	vadd.scan.msk.s32 $0xffff, v8;
	_ =	sdelay $0x5  }
0x14c: {  	v8, _, _ =	vpop (xrf0)  }
0x14d: {  	v9 =	vbroadcast v8, $0xF;
	_ =	sdelay $0x1  }
0x14e: {  	vm15 =	veq.s32 v9, v0  }
0x14f: {  	v7 =	vnsel vm15, $0x0, v7  }
0x150: {  	v6 =	vnsel vm15, $0x0, v6;
	(xrf0) =	vadd.scan.msk.s32 $0xffff, v7  }
0x151: {  	(xrf0) =	vadd.scan.msk.s32 $0xffff, v6;
	_ =	sdelay $0x3  }
0x152: {  	(v2sf) =	vpush v8, $0xF  }
0x153: {  	v6, _, _ =	vpop (xrf0)  }
0x154: {  	(v2sf) =	vpush v6, $0xF;
	v6, _, _ =	vpop (xrf0)  }
0x155: {  	(v2sf) =	vpush v6, $0xF;
	_ =	sdelay $0xa  }
.Ltmp16:
0x156: {  	_ = 	snop;
	(pc) =	sbr.rel @p0 .LBB2_25-.Ltmp16, $4  }
0x157: {  	s29 =	spop (v2sf)  }
0x158: {  	s31 =	sshll.u32 s23, $0xC;
	s30 =	ssub.s32 s26, s29  }
0x159: {  	s22 =	ssub.s32 s22, s31;
	s29 =	sadd.s32 $0x1F, s30;
	s23 =	spop (v2sf)  }
0x15a: {  	s22 =	sor.u32 s22, s29;
	s26 =	spop (v2sf)  }
0x15b: {  	v6 =	vmov s21;
	v7 =	vmov s22;
	s28 =	simm.s32 $0x10000;
	s29 =	simm.s32 $0x0;
	s30 =	smov.u32 s20  }
.LBB2_24:
0x15c: {  	v8 =	vld [tilespmem:s28+$0x0]  }
0x15d: {  	v9 =	vor.u32 s29, v0  }
0x15e: {  	vm0 =	vlt.s32 v9, v6;
	_ =	sdelay $0x5  }
0x15f: {  	v8 =	vld.idx.msk [tilespmem:v8+s4+$0x0], vm0;
	_ =	sdelay $0x4  }
0x160: {  	v8 =	vmax.f32 v8, $0.0e+00  }
0x161: {  	v63 =	vshra.s32 v8, $0x7  }
0x162: {  	vm1 =	veq.s32 v63, v7  }
0x163: {  	vm0 =	vmand vm0, vm1  }
0x164: {  	p1 =	seq.s32 s30, $0x1;
	v8 =	vand.u32 $0x7F, v8  }
.Ltmp17:
0x165: {  	_ = 	snop;
	(pc) =	sbr.rel @!p1 .LBB2_24-.Ltmp17, $2  }
0x166: {  	_ =	sdelay $0x2  }
0x167: {  	s28 =	sadd.s32 $0x10, s28;
	s29 =	sadd.s32 $0x10, s29;
	s30 =	sadd.s32 $0xFFFFFFFF, s30;
	[tilespmem:v8+s14+$0x0] =	vst.idx.add.s32.msk vm0, v3  }
.LBB2_25:
0x168: {  	s23 =	sadd.s32 s23, s25  }
0x169: {  	s23 =	ssub.s32 s24, s23  }
0x16a: {  	s23 =	sadd.s32 s26, s23  }
0x16b: {  	p1 =	sgt.s32 s23, $0x0  }
.Ltmp18:
0x16c: {  	_ = 	snop;
	(pc) =	sbr.rel @!p1 .LBB2_27-.Ltmp18, $2  }
0x16d: {  	_ =	sdelay $0x2  }
0x16e: {  	s25 =	simm.s32 $0x0;
	s24 =	simm.s32 $0x70;
	s26 =	simm.s32 $0x1A070  }
.LBB2_26:
0x16f: {  	v6 =	vld [tilespmem:s26+$0x0];
	_ =	sdelay $0x4  }
0x170: {  	(xrf0) =	vadd.scan.msk.s32 $0xffff, v6;
	_ =	sdelay $0x5  }
0x171: {  	v6, _, _ =	vpop (xrf0)  }
0x172: {  	(v2sf) =	vpush v6, $0xF;
	_ =	sdelay $0xe  }
0x173: {  	s28 =	spop (v2sf)  }
0x174: {  	s25 =	sadd.s32 s25, s28  }
0x175: {  	p1 =	slt.s32 s25, s23  }
.Ltmp19:
0x176: {  	_ = 	snop;
	(pc) =	sbr.rel @p1 .LBB2_26-.Ltmp19, $2  }
0x177: {  	_ =	sdelay $0x2  }
0x178: {  	s26 =	sadd.s32 $0xFFFFFFF0, s26;
	s24 =	sadd.s32 $0xFFFFFFF0, s24  }
.LBB2_27:
0x179: {  	v6 =	vld [tilespmem:s24+$0x1A010];
	_ =	sdelay $0x4  }
0x17a: {  	(xrf0) =	vadd.scan.msk.s32 $0xffff, v6;
	_ =	sdelay $0x5  }
0x17b: {  	v7, _, _ =	vpop (xrf0)  }
0x17c: {  	(v2sf) =	vpush v7, $0xF;
	_ =	sdelay $0x6  }
0x17d: {  	v6 =	vperm.xlane v6, v4;
	_ =	sdelay $0x1  }
0x17e: {  	(xrf0) =	vadd.scan.msk.s32 $0xffff, v6;
	_ =	sdelay $0x1  }
.Ltmp20:
0x17f: {  	_ = 	snop;
	(pc) =	sbr.rel @p0 .LBB2_35-.Ltmp20, $2  }
0x180: {  	_ =	sdelay $0x2  }
0x181: {  	s18 =	sadd.s32 s2, s18;
	v7, _, _ =	vpop (xrf0);
	s26 =	spop (v2sf)  }
0x182: {  	s25 =	ssub.s32 s25, s26  }
0x183: {  	s26 =	ssub.s32 s23, s25  }
0x184: {  	vm0 =	vge.s32 v7, s26  }
0x185: {  	v8 =	vmctz.xlane vm0;
	_ =	sdelay $0x1  }
0x186: {  	vm0 =	veq.s32 v8, v0  }
0x187: {  	v8 =	vnsel vm0, $0x0, v0  }
0x188: {  	(xrf0) =	vadd.scan.msk.s32 $0xffff, v8;
	_ =	sdelay $0x5  }
0x189: {  	v8, _, _ =	vpop (xrf0)  }
0x18a: {  	v9 =	vbroadcast v8, $0xF;
	_ =	sdelay $0x1  }
0x18b: {  	vm0 =	veq.s32 v9, v0  }
0x18c: {  	v7 =	vnsel vm0, $0x0, v7  }
0x18d: {  	(xrf0) =	vadd.scan.msk.s32 $0xffff, v7  }
0x18e: {  	v6 =	vnsel vm0, $0x0, v6  }
0x18f: {  	(xrf0) =	vadd.scan.msk.s32 $0xffff, v6;
	_ =	sdelay $0x3  }
0x190: {  	(v2sf) =	vpush v8, $0xF;
	v6, _, _ =	vpop (xrf0)  }
0x191: {  	(v2sf) =	vpush v6, $0xF  }
0x192: {  	v6, _, _ =	vpop (xrf0)  }
0x193: {  	(v2sf) =	vpush v6, $0xF;
	_ =	sdelay $0xb  }
0x194: {  	p1 =	sne.s32 s20, $0x1;
	s29 =	spop (v2sf)  }
.Ltmp21:
0x195: {  	s24 =	ssub.s32 s24, s29;
	s30 =	spop (v2sf);
	(pc) =	sbr.rel @!p1 .LBB2_29-.Ltmp21, $4  }
0x196: {  	s28 =	sshll.u32 s22, $0x7;
	s24 =	sadd.s32 $0x1F, s24;
	s25 =	sadd.s32 s30, s25  }
0x197: {  	s31 =	spop (v2sf);
	s25 =	ssub.s32 s23, s25;
	s23 =	simm.s32 $0x0  }
0x198: {  	v6 =	vmov s21;
	s21 =	simm.s32 $0x10000;
	s24 =	sor.u32 s28, s24;
	s25 =	sadd.s32 s31, s25;
	v10 =	vor.u32 s23, v0  }
0x199: {  	p0 =	por $0x0, $0x0;
	v9 =	vld [tilespmem:s21+$0x0];
	v7 =	vmov s24;
	s24 =	sadd.s32 $0xFFFFFFFF, s20;
	v8 =	vmov s25;
	vm0 =	vlt.s32 v10, v6  }
0x19a: {  	_ =	sdelay $0x7  }
0x19b: {  	v10 =	vld.idx.msk [tilespmem:v9+s4+$0x0], vm0;
	_ =	sdelay $0x4  }
0x19c: {  	v10 =	vmax.f32 v10, $0.0e+00  }
0x19d: {  	vm1 =	veq.s32 v7, v10  }
0x19e: {  	vm2 =	vmand vm0, vm1  }
0x19f: {  	v11 =	vsel vm2, $0x1, v2  }
0x1a0: {  	(xrf0) =	vadd.scan.msk.s32 $0xffff, v11;
	_ =	sdelay $0x4  }
0x1a1: {  	v12 =	vsel vm2, $0xFFFFFFFF, v2  }
0x1a2: {  	v12 =	vadd.s32 s23, v12;
	v11, _, _ =	vpop (xrf0)  }
0x1a3: {  	(v2sf) =	vpush v11, $0xF;
	v11 =	vadd.s32 v11, v12  }
0x1a4: {  	vm2 =	vlt.s32 v11, v8  }
0x1a5: {  	vm3 =	vlt.s32 v7, v10;
	vm1 =	vmand vm1, vm2  }
0x1a6: {  	vm1 =	vmor vm3, vm1  }
0x1a7: {  	vm0 =	vmand vm0, vm1;
	_ =	sdelay $0x5  }
0x1a8: {  	p1 =	sne.s32 s24, $0x1;
	s28 =	simm.s32 $0x10010;
	[tilespmem:v9+s12+$0x0] =	vst.idx.msk vm0, v10  }
.Ltmp22:
0x1a9: {  	s25 =	simm.s32 $0x10;
	v9 =	vld [tilespmem:s28+$0x0];
	(pc) =	sbr.rel @!p1 .LBB2_31-.Ltmp22, $4  }
0x1aa: {  	v10 =	vor.u32 s25, v0  }
0x1ab: {  	vm0 =	vlt.s32 v10, v6  }
0x1ac: {  	s26 =	sadd.s32 $0xFFFFFFFF, s24  }
0x1ad: {  	p0 =	por $0x1, $0x1;
	s24 =	simm.s32 $0x0;
	s29 =	spop (v2sf)  }
.LBB2_32:
0x1ae: {  	p1 =	sne.s32 s26, $0x1;
	s26 =	sadd.s32 $0xFFFFFFFF, s26;
	s24 =	sadd.s32 s24, s29  }
0x1af: {  	_ =	sdelay $0x1  }
0x1b0: {  	v10 =	vld.idx.msk [tilespmem:v9+s4+$0x0], vm0;
	_ =	sdelay $0x5  }
0x1b1: {  	v10 =	vmax.f32 v10, $0.0e+00  }
0x1b2: {  	vm1 =	veq.s32 v7, v10  }
0x1b3: {  	vm2 =	vmand vm0, vm1  }
0x1b4: {  	v11 =	vsel vm2, $0xFFFFFFFF, v2;
	v12 =	vsel vm2, $0x1, v2  }
0x1b5: {  	(xrf0) =	vadd.scan.msk.s32 $0xffff, v12;
	_ =	sdelay $0x5  }
0x1b6: {  	v11 =	vadd.s32 s24, v11;
	v12, _, _ =	vpop (xrf0)  }
0x1b7: {  	v11 =	vadd.s32 v12, v11;
	(v2sf) =	vpush v12, $0xF  }
0x1b8: {  	vm2 =	vlt.s32 v11, v8  }
0x1b9: {  	vm3 =	vlt.s32 v7, v10;
	vm1 =	vmand vm1, vm2  }
0x1ba: {  	vm1 =	vmor vm3, vm1  }
0x1bb: {  	vm0 =	vmand vm0, vm1;
	_ =	sdelay $0x5  }
0x1bc: {  	s28 =	sadd.s32 $0x10, s28;
	[tilespmem:v9+s12+$0x0] =	vst.idx.msk vm0, v10  }
.Ltmp23:
0x1bd: {  	s25 =	sadd.s32 $0x10, s25;
	v9 =	vld [tilespmem:s28+$0x0];
	(pc) =	sbr.rel @p1 .LBB2_32-.Ltmp23, $3  }
0x1be: {  	v10 =	vor.u32 s25, v0  }
0x1bf: {  	vm0 =	vlt.s32 v10, v6;
	_ =	sdelay $0x1  }
0x1c0: {  	s29 =	spop (v2sf)  }
.LBB2_33:
0x1c1: {  	_ =	sdelay $0x4  }
0x1c2: {  	v10 =	vld.idx.msk [tilespmem:v9+s4+$0x0], vm0;
	_ =	sdelay $0x4  }
0x1c3: {  	v10 =	vmax.f32 v10, $0.0e+00  }
0x1c4: {  	vm1 =	veq.s32 v7, v10  }
0x1c5: {  	vm2 =	vmand vm0, vm1  }
0x1c6: {  	v11 =	vsel vm2, $0x1, v2  }
0x1c7: {  	(xrf0) =	vadd.scan.msk.s32 $0xffff, v11;
	_ =	sdelay $0x5  }
0x1c8: {  	v11, _, _ =	vpop (xrf0)  }
0x1c9: {  	s24 =	sadd.s32 @p0 s24, s29;
	s25 =	simm.s32 $0x0;
	(v2sf) =	vpush v11, $0xF  }
0x1ca: {  	s25 =	smov.u32 @p0 s24;
	v12 =	vsel vm2, $0xFFFFFFFF, v2  }
0x1cb: {  	v12 =	vadd.s32 s25, v12  }
0x1cc: {  	v11 =	vadd.s32 v11, v12  }
0x1cd: {  	vm14 =	vlt.s32 v11, v8  }
0x1ce: {  	vm3 =	vlt.s32 v7, v10;
	vm1 =	vmand vm1, vm14  }
0x1cf: {  	vm1 =	vmor vm3, vm1  }
0x1d0: {  	vm15 =	vmand vm0, vm1;
	_ =	sdelay $0x5  }
0x1d1: {  	[tilespmem:v9+s12+$0x0] =	vst.idx.msk vm15, v10  }
0x1d2: {  	[hbm4b:s18+s7] =	stream.strided.scatter [tilespmem:s12], [sflag:$0x1], $0x8000, s8, s7, $0x38;
	[tilespmem:$0x1A080] =	vst v63  }
0x1d3: {  	s31 =	spop (v2sf)  }
0x1d4: {  	_ =	swait.ge [sflag:s9], $0x8000  }
0x1d5: {  	[sflag:s9] =	ssyncset.done $0x0  }
0x1d6: {  	v7 =	vmov s22;
	[sflag:s9] =	ssyncadd.s32 $0xFFFF8000  }
.LBB2_34:
0x1d7: {  	v8 =	vld [tilespmem:s21+$0x0]  }
0x1d8: {  	v9 =	vor.u32 s23, v0  }
0x1d9: {  	vm0 =	vlt.s32 v9, v6;
	_ =	sdelay $0x5  }
0x1da: {  	v9 =	vld.idx.msk [tilespmem:v8+s4+$0x0], vm0;
	_ =	sdelay $0x4  }
0x1db: {  	v9 =	vmax.f32 v9, $0.0e+00  }
0x1dc: {  	v10 =	vshra.s32 v9, $0x13  }
0x1dd: {  	v63 =	vshra.s32 v9, $0x7;
	vm1 =	veq.s32 v10, v5  }
0x1de: {  	vm2 =	veq.s32 v63, v7;
	vm1 =	vmand vm0, vm1  }
0x1df: {  	v10 =	vand.u32 $0xFFF, v63;
	vm2 =	vmand vm0, vm2  }
0x1e0: {  	p0 =	seq.s32 s20, $0x1;
	v9 =	vand.u32 $0x7F, v9  }
.Ltmp24:
0x1e1: {  	_ = 	snop;
	(pc) =	sbr.rel @!p0 .LBB2_34-.Ltmp24, $4  }
0x1e2: {  	_ = 	snop  }
0x1e3: {  	[tilespmem:v8+s12+$0x0] =	vst.idx.msk vm0, v1  }
0x1e4: {  	[tilespmem:v10+s13+$0x0] =	vst.idx.msk vm1, v2  }
0x1e5: {  	s21 =	sadd.s32 $0x10, s21;
	s23 =	sadd.s32 $0x10, s23;
	s20 =	sadd.s32 $0xFFFFFFFF, s20;
	[tilespmem:v9+s14+$0x0] =	vst.idx.msk vm2, v2  }
.Ltmp25:
0x1e6: {  	_ = 	snop;
	(pc) =	sbr.rel .LBB2_36-.Ltmp25, $1  }
0x1e7: {  	_ =	sdelay $0x3  }
.LBB2_29:
.Ltmp26:
0x1e8: {  	(pc) =	sbr.rel .LBB2_33-.Ltmp26, $2  }
0x1e9: {  	_ =	sdelay $0x2  }
0x1ea: {  	s24 =	simm.s32 $0x0  }
.LBB2_31:
.Ltmp27:
0x1eb: {  	(pc) =	sbr.rel .LBB2_33-.Ltmp27, $2  }
0x1ec: {  	_ =	sdelay $0x2  }
0x1ed: {  	s24 =	simm.s32 $0x0  }
.LBB2_38:
0x1ee: {  	_ =	sfence.sel $0x180000  }
0x1ef: {  	[bflag:$0x0] =	sbarrier.arrive $0xFFFF  }
0x1f0: {  	p0 =	sne.s32 s3, $0x0;
	_ =	strace $0x90000047  }
0x1f1: {  	s0 =	sadd.s32 @!p0 $0x100000, s0;
	[bflag:$0x2] =	sbarrier.arrive $0xFFFF  }
0x1f2: {  	[sflag:s0] =	ssyncadd.tile.s32 @!p0 $0x1;
	_ =	shalt  }
.Lfunc_end2:
_tile_overlayer_lowered:
.L_overlay_start_2:
0x1f3: {  	(tag) =	ssettag $0x2  }
0x1f4: {  	s0 =	rddreg [dreg:$0x0];
	s2 =	stileid.u32  }
0x1f5: {  	s1 =	rddreg [dreg:$0x1];
	p0 =	sne.s32 s2, $0x0  }
0x1f6: {  	s3 =	rddreg [dreg:$0x2];
	[bflag:$0x3] =	sbarrier.arrive $0xFFFF;
	s2 =	simm.s32 @!p0 $0x1C01  }
0x1f7: {  	[timem:s3], [sflag:s2] =	dma.local @!p0 [hbm:s0], s1  }
0x1f8: {  	s0 =	simm.s32 @!p0 $0x1  }
0x1f9: {  	_ =	swait.ge @!p0 [sflag:s0], s1  }
0x1fa: {  	s1 =	ssub.s32 @!p0 $0x0, s1;
	[sflag:s0] =	ssyncset.done @!p0 $0x0  }
0x1fb: {  	[sflag:s0] =	ssyncadd.s32 @!p0 s1  }
0x1fc: {  	[bflag:$0x3] =	sbarrier.arrive $0xFFFF  }
0x1fd: {  	_ =	shalt  }

</sc_bundles>
